<compile_context>
chip_gen: v7x
topology: tpu7x:2x2x1
jax: 0.10.2.dev20260603
libtpu: 0.0.44.dev20260713+nightly
codegen_flags: <defaults>
</compile_context>

<pallas_src>
import functools

import jax
import jax.numpy as jnp
from jax import lax
from jax.experimental import pallas as pl
from jax.experimental.pallas import tpu as pltpu
from jax.experimental.pallas import tpu_sc as plsc

_NC, _NS, _LANES = 2, 16, 16
_NW = _NC * _NS


def _pad8(n):
    return (n + 7) // 8 * 8


def _proj_oh(tables_oh, w_oh, pair=2):
    F, V, D = tables_oh.shape
    G = F // pair

    def body(t_ref, w_ref, o_ref):
        t = t_ref[...]
        w = w_ref[...]
        o_ref[...] = jax.lax.dot_general(
            w, t, (((2,), (2,)), ((0,), (0,))),
            preferred_element_type=jnp.float32)

    return pl.pallas_call(
        body,
        grid=(G,),
        in_specs=[pl.BlockSpec((pair, V, D), lambda g: (g, 0, 0)),
                  pl.BlockSpec((pair, 1, D), lambda g: (g, 0, 0))],
        out_specs=pl.BlockSpec((pair, 1, V), lambda g: (g, 0, 0)),
        out_shape=jax.ShapeDtypeStruct((F, 1, V), jnp.float32),
    )(tables_oh, w_oh.reshape(F, 1, D))


def _proj_mh(table_mh, w_mh, scale):
    Vm, D = table_mh.shape
    RB = 20000
    G = Vm // RB

    def body(t_ref, w_ref, o_ref):
        t = t_ref[...]
        w = w_ref[...]
        o_ref[0, 0, :] = jax.lax.dot_general(
            w, t, (((1,), (1,)), ((), ())),
            preferred_element_type=jnp.float32)[0] * scale

    return pl.pallas_call(
        body,
        grid=(G,),
        in_specs=[pl.BlockSpec((RB, D), lambda i: (i, 0)),
                  pl.BlockSpec((1, D), lambda i: (0, 0))],
        out_specs=pl.BlockSpec((1, 1, RB), lambda i: (i, 0, 0)),
        out_shape=jax.ShapeDtypeStruct((G, 1, RB), jnp.float32),
    )(table_mh, w_mh.reshape(1, D))


def _dense_base(dense_t, w_d, bias):
    DDp, Bn = dense_t.shape

    def body(d_ref, w_ref, b_ref, o_ref):
        o_ref[0, :] = jax.lax.dot_general(
            w_ref[...], d_ref[...], (((1,), (0,)), ((), ())),
            preferred_element_type=jnp.float32)[0] + b_ref[0, 0]

    return pl.pallas_call(
        body,
        grid=(1,),
        in_specs=[pl.BlockSpec((DDp, Bn), lambda i: (0, 0)),
                  pl.BlockSpec((1, DDp), lambda i: (0, 0)),
                  pl.BlockSpec((1, 1), lambda i: (0, 0))],
        out_specs=pl.BlockSpec((1, Bn), lambda i: (0, 0)),
        out_shape=jax.ShapeDtypeStruct((1, Bn), jnp.float32),
    )(dense_t, w_d.reshape(1, DDp), bias.reshape(1, 1))


def _make_sc_oh(Bn, F, n_oh):
    rpw = Bn // _NW
    groups = rpw // _LANES
    voh = n_oh // F
    mesh = plsc.VectorSubcoreMesh(core_axis_name="c", subcore_axis_name="s")

    @functools.partial(
        pl.kernel,
        out_type=jax.ShapeDtypeStruct((Bn,), jnp.float32),
        mesh=mesh,
        compiler_params=pltpu.CompilerParams(needs_layout_passes=False),
        scratch_types=[
            pltpu.VMEM((n_oh,), jnp.float32),
            pltpu.VMEM((_pad8(F), rpw), jnp.int32),
            pltpu.VMEM((rpw,), jnp.float32),
            pltpu.SemaphoreType.DMA,
        ],
    )
    def sc_fn(s_oh_hbm, ids_oh_hbm, acc_hbm, table_v, idx_v, acc_v, sem_i):
        wid = lax.axis_index("s") * _NC + lax.axis_index("c")
        rbase = wid * rpw
        h_idx = pltpu.async_copy(ids_oh_hbm.at[:, pl.ds(rbase, rpw)], idx_v,
                                 sem_i)
        pltpu.sync_copy(s_oh_hbm, table_v)
        h_idx.wait()

        def g_oh(g, _):
            v = jnp.zeros((_LANES,), jnp.float32)
            for j in range(F):
                ii = idx_v[j, pl.ds(g * _LANES, _LANES)]
                v = v + plsc.load_gather(table_v, [ii + j * voh])
            acc_v[pl.ds(g * _LANES, _LANES)] = v
            return 0

        lax.fori_loop(0, groups, g_oh, 0)
        pltpu.sync_copy(acc_v, acc_hbm.at[pl.ds(rbase, rpw)])

    return sc_fn


def _make_sc_mh(Bn, L, n_mh):
    rpw = Bn // _NW
    groups = rpw // _LANES
    mesh = plsc.VectorSubcoreMesh(core_axis_name="c", subcore_axis_name="s")

    @functools.partial(
        pl.kernel,
        out_type=jax.ShapeDtypeStruct((Bn,), jnp.float32),
        mesh=mesh,
        compiler_params=pltpu.CompilerParams(needs_layout_passes=False),
        scratch_types=[
            pltpu.VMEM((n_mh,), jnp.float32),
            pltpu.VMEM((_pad8(L), rpw), jnp.int32),
            pltpu.VMEM((rpw,), jnp.float32),
            pltpu.VMEM((rpw,), jnp.float32),
            pltpu.SemaphoreType.DMA,
            pltpu.SemaphoreType.DMA,
            pltpu.SemaphoreType.DMA,
        ],
    )
    def sc_fn(s_mh_hbm, ids_mh_hbm, base_hbm, acc_hbm, out_hbm,
              table_v, idx_v, acc_v, res_v, sem_a, sem_b, sem_c):
        wid = lax.axis_index("s") * _NC + lax.axis_index("c")
        rbase = wid * rpw
        h_base = pltpu.async_copy(base_hbm.at[pl.ds(rbase, rpw)], res_v, sem_a)
        h_acc = pltpu.async_copy(acc_hbm.at[pl.ds(rbase, rpw)], acc_v, sem_b)
        h_idx = pltpu.async_copy(ids_mh_hbm.at[:, pl.ds(rbase, rpw)], idx_v,
                                 sem_c)
        pltpu.sync_copy(s_mh_hbm, table_v)
        h_idx.wait()
        h_base.wait()
        h_acc.wait()

        def g_mh(g, _):
            v = acc_v[pl.ds(g * _LANES, _LANES)]
            for j in range(L):
                ii = idx_v[j, pl.ds(g * _LANES, _LANES)]
                v = v + plsc.load_gather(table_v, [ii])
            x = v + res_v[pl.ds(g * _LANES, _LANES)]
            res_v[pl.ds(g * _LANES, _LANES)] = 1.0 / (1.0 + jnp.exp(-x))
            return 0

        lax.fori_loop(0, groups, g_mh, 0)
        pltpu.sync_copy(res_v, out_hbm.at[pl.ds(rbase, rpw)])

    return sc_fn


def kernel(one_hot_ids, multi_hot_ids, dense_feats, tables_oh, table_mh, W, b):
    Bn, F = one_hot_ids.shape
    L = multi_hot_ids.shape[1]
    _, V, D = tables_oh.shape
    Vm = table_mh.shape[0]

    w_oh = W[:F * D, 0].reshape(F, D)
    w_mh = W[F * D:F * D + D, 0]
    w_d = W[F * D + D:, 0]

    DD = dense_feats.shape[1]
    dense_t = jnp.pad(dense_feats.T, ((0, _pad8(DD) - DD), (0, 0)))
    w_d_p = jnp.pad(w_d, (0, _pad8(DD) - DD))

    s_oh = _proj_oh(tables_oh, w_oh, pair=13).reshape(-1)
    s_mh = _proj_mh(table_mh, w_mh, 1.0 / L).reshape(-1)
    base = _dense_base(dense_t, w_d_p, b).reshape(-1)

    idx_oh_t = jnp.pad(one_hot_ids.astype(jnp.int32).T,
                       ((0, _pad8(F) - F), (0, 0)))
    idx_mh_t = jnp.pad(multi_hot_ids.astype(jnp.int32).T,
                       ((0, _pad8(L) - L), (0, 0)))

    acc = _make_sc_oh(Bn, F, F * V)(s_oh, idx_oh_t)
    out = _make_sc_mh(Bn, L, Vm)(s_mh, idx_mh_t, base, acc)
    return out.reshape(Bn, 1)

# --- scband reference (transcript-rebuilt; emitter-appended) ---
"""Pipeline reference for scband-lr-15058155340172 (READ-ONLY COPY).

The authoritative reference and input builder live on the scoring server;
editing this copy changes nothing except your own understanding.
"""

import jax, jax.numpy as jnp
import numpy as np

NUM_OH_FIELDS = 26
OH_VOCAB = 1000
MH_VOCAB = 100000
HIST_LEN = 50
EMB_DIM = 128
DENSE_DIM = 13
BATCH = 16384


def setup_inputs(seed: int = 0) -> dict:
    key = jax.random.key(seed)
    k1, k2, k3, k4, k5, k6, k7 = jax.random.split(key, 7)
    one_hot_ids = jax.random.randint(k1, (BATCH, NUM_OH_FIELDS), 0, OH_VOCAB, dtype=jnp.int64 if jax.config.jax_enable_x64 else jnp.int32)
    multi_hot_ids = jax.random.randint(k2, (BATCH, HIST_LEN), 0, MH_VOCAB, dtype=jnp.int64 if jax.config.jax_enable_x64 else jnp.int32)
    dense_feats = jax.random.normal(k3, (BATCH, DENSE_DIM), dtype=jnp.float32)
    # Learned parameters (one embedding table per one-hot field, stacked; one multi-hot table; Dense(1) weights)
    tables_oh = jax.random.normal(k4, (NUM_OH_FIELDS, OH_VOCAB, EMB_DIM), dtype=jnp.float32) * 0.05
    table_mh = jax.random.normal(k5, (MH_VOCAB, EMB_DIM), dtype=jnp.float32) * 0.05
    feat_dim = NUM_OH_FIELDS * EMB_DIM + EMB_DIM + DENSE_DIM
    W = jax.random.normal(k6, (feat_dim, 1), dtype=jnp.float32) * 0.02
    b = jnp.zeros((1,), dtype=jnp.float32)
    return {"one_hot_ids": one_hot_ids, "multi_hot_ids": multi_hot_ids, "dense_feats": dense_feats,
            "tables_oh": tables_oh, "table_mh": table_mh, "W": W, "b": b}


def reference(one_hot_ids, multi_hot_ids, dense_feats, tables_oh, table_mh, W, b):
    # DenseFeatures: per-field embedding lookup for one-hot categorical columns
    # tables_oh: [F, V, D]; one_hot_ids: [B, F] -> emb_oh: [B, F, D]
    emb_oh = jax.vmap(lambda t, idx: jnp.take(t, idx, axis=0), in_axes=(0, 1), out_axes=1)(tables_oh, one_hot_ids)
    emb_oh = emb_oh.reshape(emb_oh.shape[0], -1)  # [B, F*D]
    # multi-hot embedding with 'mean' combiner (tf embedding_column default)
    emb_mh = jnp.take(table_mh, multi_hot_ids, axis=0)  # [B, L, D]
    emb_mh = jnp.mean(emb_mh, axis=1)  # [B, D]
    # concat all dense-ified features
    x = jnp.concatenate([emb_oh, emb_mh, dense_feats], axis=1)
    # Dense(units=1, activation='sigmoid')
    logits = x @ W + b
    return jax.nn.sigmoid(logits)

if __name__ == "__main__":
    import jax
    _d = setup_inputs()
    print(jax.jit(kernel)(*tuple(_d.values())))

</pallas_src>

<mosaic_0001>
#map = affine_map<(d0, d1) -> (0)>
#map1 = affine_map<(d0, d1) -> (0, 0)>
module attributes {stable_mosaic.version = 14 : i64} {
  func.func @sc_fn(%arg0: i32, %arg1: i32, %arg2: memref<100000xf32, #tpu.memory_space<hbm>>, %arg3: memref<56x16384xi32, #tpu.memory_space<hbm>>, %arg4: memref<16384xf32, #tpu.memory_space<hbm>>, %arg5: memref<16384xf32, #tpu.memory_space<hbm>>, %arg6: memref<16384xf32, #tpu.memory_space<hbm>>, %arg7: memref<100000xf32, #tpu.memory_space<vmem>>, %arg8: memref<56x512xi32, #tpu.memory_space<vmem>>, %arg9: memref<512xf32, #tpu.memory_space<vmem>>, %arg10: memref<512xf32, #tpu.memory_space<vmem>>, %arg11: memref<!tpu.dma_semaphore, #tpu.memory_space<semaphore_mem>>, %arg12: memref<!tpu.dma_semaphore, #tpu.memory_space<semaphore_mem>>, %arg13: memref<!tpu.dma_semaphore, #tpu.memory_space<semaphore_mem>>) attributes {dimension_semantics = [#tpu.dimension_semantics<core_parallel>, #tpu.dimension_semantics<subcore_parallel>], iteration_bounds = array<i64: 2, 16>, scalar_prefetch = 0 : i64, scratch_operands = 7 : i64, tpu.core_type = #tpu.core_type<sc_vector_subcore>, window_params = [{transform_indices = #map}, {transform_indices = #map1}, {transform_indices = #map}, {transform_indices = #map}, {transform_indices = #map}]} {
    %mul3A = arith.constant 2 : i32
    %mul3A_0 = arith.muli %arg1, %mul3A : i32
    %add3A = arith.addi %mul3A_0, %arg0 : i32
    %mul3A_1 = arith.constant 512 : i32
    %mul3A_2 = arith.muli %add3A, %mul3A_1 : i32
    %dma_start3A = tpu.memref_slice %arg4[%mul3A_2] : memref<16384xf32, #tpu.memory_space<hbm>> -> memref<512xf32, #tpu.memory_space<hbm>>
    %dma_start3A_3 = tpu.memref_slice %arg4[%mul3A_2] : memref<16384xf32, #tpu.memory_space<hbm>> -> memref<512xf32, #tpu.memory_space<hbm>>
    tpu.enqueue_dma source(%dma_start3A_3 : memref<512xf32, #tpu.memory_space<hbm>>) target(%arg10 : memref<512xf32, #tpu.memory_space<vmem>>) target_semaphore(%arg11 : memref<!tpu.dma_semaphore, #tpu.memory_space<semaphore_mem>>)
    %dma_start3A_4 = tpu.memref_slice %arg5[%mul3A_2] : memref<16384xf32, #tpu.memory_space<hbm>> -> memref<512xf32, #tpu.memory_space<hbm>>
    %dma_start3A_5 = tpu.memref_slice %arg5[%mul3A_2] : memref<16384xf32, #tpu.memory_space<hbm>> -> memref<512xf32, #tpu.memory_space<hbm>>
    tpu.enqueue_dma source(%dma_start3A_5 : memref<512xf32, #tpu.memory_space<hbm>>) target(%arg9 : memref<512xf32, #tpu.memory_space<vmem>>) target_semaphore(%arg12 : memref<!tpu.dma_semaphore, #tpu.memory_space<semaphore_mem>>)
    %dma_start3A_6 = arith.constant 0 : i32
    %dma_start3A_7 = tpu.memref_slice %arg3[%dma_start3A_6, %mul3A_2] : memref<56x16384xi32, #tpu.memory_space<hbm>> -> memref<56x512xi32, #tpu.memory_space<hbm>>
    %dma_start3A_8 = arith.constant 0 : i32
    %dma_start3A_9 = tpu.memref_slice %arg3[%dma_start3A_8, %mul3A_2] : memref<56x16384xi32, #tpu.memory_space<hbm>> -> memref<56x512xi32, #tpu.memory_space<hbm>>
    tpu.enqueue_dma source(%dma_start3A_9 : memref<56x512xi32, #tpu.memory_space<hbm>>) target(%arg8 : memref<56x512xi32, #tpu.memory_space<vmem>>) target_semaphore(%arg13 : memref<!tpu.dma_semaphore, #tpu.memory_space<semaphore_mem>>)
    "tpu.region"() ({
      %run_scoped3A = tpu.sem_alloc : memref<!tpu.dma_semaphore, #tpu.memory_space<semaphore_mem>>
      tpu.enqueue_dma source(%arg2 : memref<100000xf32, #tpu.memory_space<hbm>>) target(%arg7 : memref<100000xf32, #tpu.memory_space<vmem>>) target_semaphore(%run_scoped3A : memref<!tpu.dma_semaphore, #tpu.memory_space<semaphore_mem>>)
      tpu.wait_dma2 semaphore(%run_scoped3A : memref<!tpu.dma_semaphore, #tpu.memory_space<semaphore_mem>>) src(%arg2 : memref<100000xf32, #tpu.memory_space<hbm>>) dst(%arg7 : memref<100000xf32, #tpu.memory_space<vmem>>)
      tpu.yield
    }) : () -> ()
    %dma_wait3A = arith.constant 0 : i32
    %dma_wait3A_10 = tpu.memref_slice %arg3[%dma_wait3A, %mul3A_2] : memref<56x16384xi32, #tpu.memory_space<hbm>> -> memref<56x512xi32, #tpu.memory_space<hbm>>
    %dma_wait3A_11 = arith.constant 0 : i32
    %dma_wait3A_12 = tpu.memref_slice %arg3[%dma_wait3A_11, %mul3A_2] : memref<56x16384xi32, #tpu.memory_space<hbm>> -> memref<56x512xi32, #tpu.memory_space<hbm>>
    tpu.wait_dma2 semaphore(%arg13 : memref<!tpu.dma_semaphore, #tpu.memory_space<semaphore_mem>>) src(%dma_wait3A_12 : memref<56x512xi32, #tpu.memory_space<hbm>>) dst(%arg8 : memref<56x512xi32, #tpu.memory_space<vmem>>)
    %dma_wait3A_13 = tpu.memref_slice %arg4[%mul3A_2] : memref<16384xf32, #tpu.memory_space<hbm>> -> memref<512xf32, #tpu.memory_space<hbm>>
    %dma_wait3A_14 = tpu.memref_slice %arg4[%mul3A_2] : memref<16384xf32, #tpu.memory_space<hbm>> -> memref<512xf32, #tpu.memory_space<hbm>>
    tpu.wait_dma2 semaphore(%arg11 : memref<!tpu.dma_semaphore, #tpu.memory_space<semaphore_mem>>) src(%dma_wait3A_14 : memref<512xf32, #tpu.memory_space<hbm>>) dst(%arg10 : memref<512xf32, #tpu.memory_space<vmem>>)
    %dma_wait3A_15 = tpu.memref_slice %arg5[%mul3A_2] : memref<16384xf32, #tpu.memory_space<hbm>> -> memref<512xf32, #tpu.memory_space<hbm>>
    %dma_wait3A_16 = tpu.memref_slice %arg5[%mul3A_2] : memref<16384xf32, #tpu.memory_space<hbm>> -> memref<512xf32, #tpu.memory_space<hbm>>
    tpu.wait_dma2 semaphore(%arg12 : memref<!tpu.dma_semaphore, #tpu.memory_space<semaphore_mem>>) src(%dma_wait3A_16 : memref<512xf32, #tpu.memory_space<hbm>>) dst(%arg9 : memref<512xf32, #tpu.memory_space<vmem>>)
    %scan3A = arith.constant 0 : i32
    %scan3A_17 = arith.constant 0 : i32
    %scan3A_18 = arith.constant 32 : i32
    %scan3A_19 = arith.addi %scan3A_17, %scan3A_18 : i32
    %scan3A_20 = arith.constant 1 : i32
    %scan3A_21 = scf.for %scan3A_23 = %scan3A_17 to %scan3A_19 step %scan3A_20 iter_args(%scan3A_24 = %scan3A) -> (i32)  : i32 {
      %mul3A_25 = arith.constant 16 : i32
      %mul3A_26 = arith.muli %scan3A_23, %mul3A_25 : i32
      %get3A = arith.index_cast %mul3A_26 : i32 to index
      %get3A_27 = tpu.vector_load %arg9[%get3A] {strides = array<i32>} : memref<512xf32, #tpu.memory_space<vmem>>, vector<16xf32>,
      %mul3A_28 = arith.constant 16 : i32
      %mul3A_29 = arith.muli %scan3A_23, %mul3A_28 : i32
      %get3A_30 = arith.constant 0 : i32
      %get3A_31 = arith.index_cast %get3A_30 : i32 to index
      %get3A_32 = arith.index_cast %mul3A_29 : i32 to index
      %get3A_33 = tpu.vector_load %arg8[%get3A_31, %get3A_32] {strides = array<i32>} : memref<56x512xi32, #tpu.memory_space<vmem>>, vector<16xi32>,
      %gather3A = tpu.vector_load_idx %arg7[%get3A_33] : memref<100000xf32, #tpu.memory_space<vmem>>[vector<16xi32>], vector<16xf32>,
      %add3A_34 = arith.addf %get3A_27, %gather3A : vector<16xf32>
      %mul3A_35 = arith.constant 16 : i32
      %mul3A_36 = arith.muli %scan3A_23, %mul3A_35 : i32
      %get3A_37 = arith.constant 1 : i32
      %get3A_38 = arith.index_cast %get3A_37 : i32 to index
      %get3A_39 = arith.index_cast %mul3A_36 : i32 to index
      %get3A_40 = tpu.vector_load %arg8[%get3A_38, %get3A_39] {strides = array<i32>} : memref<56x512xi32, #tpu.memory_space<vmem>>, vector<16xi32>,
      %gather3A_41 = tpu.vector_load_idx %arg7[%get3A_40] : memref<100000xf32, #tpu.memory_space<vmem>>[vector<16xi32>], vector<16xf32>,
      %add3A_42 = arith.addf %add3A_34, %gather3A_41 : vector<16xf32>
      %mul3A_43 = arith.constant 16 : i32
      %mul3A_44 = arith.muli %scan3A_23, %mul3A_43 : i32
      %get3A_45 = arith.constant 2 : i32
      %get3A_46 = arith.index_cast %get3A_45 : i32 to index
      %get3A_47 = arith.index_cast %mul3A_44 : i32 to index
      %get3A_48 = tpu.vector_load %arg8[%get3A_46, %get3A_47] {strides = array<i32>} : memref<56x512xi32, #tpu.memory_space<vmem>>, vector<16xi32>,
      %gather3A_49 = tpu.vector_load_idx %arg7[%get3A_48] : memref<100000xf32, #tpu.memory_space<vmem>>[vector<16xi32>], vector<16xf32>,
      %add3A_50 = arith.addf %add3A_42, %gather3A_49 : vector<16xf32>
      %mul3A_51 = arith.constant 16 : i32
      %mul3A_52 = arith.muli %scan3A_23, %mul3A_51 : i32
      %get3A_53 = arith.constant 3 : i32
      %get3A_54 = arith.index_cast %get3A_53 : i32 to index
      %get3A_55 = arith.index_cast %mul3A_52 : i32 to index
      %get3A_56 = tpu.vector_load %arg8[%get3A_54, %get3A_55] {strides = array<i32>} : memref<56x512xi32, #tpu.memory_space<vmem>>, vector<16xi32>,
      %gather3A_57 = tpu.vector_load_idx %arg7[%get3A_56] : memref<100000xf32, #tpu.memory_space<vmem>>[vector<16xi32>], vector<16xf32>,
      %add3A_58 = arith.addf %add3A_50, %gather3A_57 : vector<16xf32>
      %mul3A_59 = arith.constant 16 : i32
      %mul3A_60 = arith.muli %scan3A_23, %mul3A_59 : i32
      %get3A_61 = arith.constant 4 : i32
      %get3A_62 = arith.index_cast %get3A_61 : i32 to index
      %get3A_63 = arith.index_cast %mul3A_60 : i32 to index
      %get3A_64 = tpu.vector_load %arg8[%get3A_62, %get3A_63] {strides = array<i32>} : memref<56x512xi32, #tpu.memory_space<vmem>>, vector<16xi32>,
      %gather3A_65 = tpu.vector_load_idx %arg7[%get3A_64] : memref<100000xf32, #tpu.memory_space<vmem>>[vector<16xi32>], vector<16xf32>,
      %add3A_66 = arith.addf %add3A_58, %gather3A_65 : vector<16xf32>
      %mul3A_67 = arith.constant 16 : i32
      %mul3A_68 = arith.muli %scan3A_23, %mul3A_67 : i32
      %get3A_69 = arith.constant 5 : i32
      %get3A_70 = arith.index_cast %get3A_69 : i32 to index
      %get3A_71 = arith.index_cast %mul3A_68 : i32 to index
      %get3A_72 = tpu.vector_load %arg8[%get3A_70, %get3A_71] {strides = array<i32>} : memref<56x512xi32, #tpu.memory_space<vmem>>, vector<16xi32>,
      %gather3A_73 = tpu.vector_load_idx %arg7[%get3A_72] : memref<100000xf32, #tpu.memory_space<vmem>>[vector<16xi32>], vector<16xf32>,
      %add3A_74 = arith.addf %add3A_66, %gather3A_73 : vector<16xf32>
      %mul3A_75 = arith.constant 16 : i32
      %mul3A_76 = arith.muli %scan3A_23, %mul3A_75 : i32
      %get3A_77 = arith.constant 6 : i32
      %get3A_78 = arith.index_cast %get3A_77 : i32 to index
      %get3A_79 = arith.index_cast %mul3A_76 : i32 to index
      %get3A_80 = tpu.vector_load %arg8[%get3A_78, %get3A_79] {strides = array<i32>} : memref<56x512xi32, #tpu.memory_space<vmem>>, vector<16xi32>,
      %gather3A_81 = tpu.vector_load_idx %arg7[%get3A_80] : memref<100000xf32, #tpu.memory_space<vmem>>[vector<16xi32>], vector<16xf32>,
      %add3A_82 = arith.addf %add3A_74, %gather3A_81 : vector<16xf32>
      %mul3A_83 = arith.constant 16 : i32
      %mul3A_84 = arith.muli %scan3A_23, %mul3A_83 : i32
      %get3A_85 = arith.constant 7 : i32
      %get3A_86 = arith.index_cast %get3A_85 : i32 to index
      %get3A_87 = arith.index_cast %mul3A_84 : i32 to index
      %get3A_88 = tpu.vector_load %arg8[%get3A_86, %get3A_87] {strides = array<i32>} : memref<56x512xi32, #tpu.memory_space<vmem>>, vector<16xi32>,
      %gather3A_89 = tpu.vector_load_idx %arg7[%get3A_88] : memref<100000xf32, #tpu.memory_space<vmem>>[vector<16xi32>], vector<16xf32>,
      %add3A_90 = arith.addf %add3A_82, %gather3A_89 : vector<16xf32>
      %mul3A_91 = arith.constant 16 : i32
      %mul3A_92 = arith.muli %scan3A_23, %mul3A_91 : i32
      %get3A_93 = arith.constant 8 : i32
      %get3A_94 = arith.index_cast %get3A_93 : i32 to index
      %get3A_95 = arith.index_cast %mul3A_92 : i32 to index
      %get3A_96 = tpu.vector_load %arg8[%get3A_94, %get3A_95] {strides = array<i32>} : memref<56x512xi32, #tpu.memory_space<vmem>>, vector<16xi32>,
      %gather3A_97 = tpu.vector_load_idx %arg7[%get3A_96] : memref<100000xf32, #tpu.memory_space<vmem>>[vector<16xi32>], vector<16xf32>,
      %add3A_98 = arith.addf %add3A_90, %gather3A_97 : vector<16xf32>
      %mul3A_99 = arith.constant 16 : i32
      %mul3A_100 = arith.muli %scan3A_23, %mul3A_99 : i32
      %get3A_101 = arith.constant 9 : i32
      %get3A_102 = arith.index_cast %get3A_101 : i32 to index
      %get3A_103 = arith.index_cast %mul3A_100 : i32 to index
      %get3A_104 = tpu.vector_load %arg8[%get3A_102, %get3A_103] {strides = array<i32>} : memref<56x512xi32, #tpu.memory_space<vmem>>, vector<16xi32>,
      %gather3A_105 = tpu.vector_load_idx %arg7[%get3A_104] : memref<100000xf32, #tpu.memory_space<vmem>>[vector<16xi32>], vector<16xf32>,
      %add3A_106 = arith.addf %add3A_98, %gather3A_105 : vector<16xf32>
      %mul3A_107 = arith.constant 16 : i32
      %mul3A_108 = arith.muli %scan3A_23, %mul3A_107 : i32
      %get3A_109 = arith.constant 10 : i32
      %get3A_110 = arith.index_cast %get3A_109 : i32 to index
      %get3A_111 = arith.index_cast %mul3A_108 : i32 to index
      %get3A_112 = tpu.vector_load %arg8[%get3A_110, %get3A_111] {strides = array<i32>} : memref<56x512xi32, #tpu.memory_space<vmem>>, vector<16xi32>,
      %gather3A_113 = tpu.vector_load_idx %arg7[%get3A_112] : memref<100000xf32, #tpu.memory_space<vmem>>[vector<16xi32>], vector<16xf32>,
      %add3A_114 = arith.addf %add3A_106, %gather3A_113 : vector<16xf32>
      %mul3A_115 = arith.constant 16 : i32
      %mul3A_116 = arith.muli %scan3A_23, %mul3A_115 : i32
      %get3A_117 = arith.constant 11 : i32
      %get3A_118 = arith.index_cast %get3A_117 : i32 to index
      %get3A_119 = arith.index_cast %mul3A_116 : i32 to index
      %get3A_120 = tpu.vector_load %arg8[%get3A_118, %get3A_119] {strides = array<i32>} : memref<56x512xi32, #tpu.memory_space<vmem>>, vector<16xi32>,
      %gather3A_121 = tpu.vector_load_idx %arg7[%get3A_120] : memref<100000xf32, #tpu.memory_space<vmem>>[vector<16xi32>], vector<16xf32>,
      %add3A_122 = arith.addf %add3A_114, %gather3A_121 : vector<16xf32>
      %mul3A_123 = arith.constant 16 : i32
      %mul3A_124 = arith.muli %scan3A_23, %mul3A_123 : i32
      %get3A_125 = arith.constant 12 : i32
      %get3A_126 = arith.index_cast %get3A_125 : i32 to index
      %get3A_127 = arith.index_cast %mul3A_124 : i32 to index
      %get3A_128 = tpu.vector_load %arg8[%get3A_126, %get3A_127] {strides = array<i32>} : memref<56x512xi32, #tpu.memory_space<vmem>>, vector<16xi32>,
      %gather3A_129 = tpu.vector_load_idx %arg7[%get3A_128] : memref<100000xf32, #tpu.memory_space<vmem>>[vector<16xi32>], vector<16xf32>,
      %add3A_130 = arith.addf %add3A_122, %gather3A_129 : vector<16xf32>
      %mul3A_131 = arith.constant 16 : i32
      %mul3A_132 = arith.muli %scan3A_23, %mul3A_131 : i32
      %get3A_133 = arith.constant 13 : i32
      %get3A_134 = arith.index_cast %get3A_133 : i32 to index
      %get3A_135 = arith.index_cast %mul3A_132 : i32 to index
      %get3A_136 = tpu.vector_load %arg8[%get3A_134, %get3A_135] {strides = array<i32>} : memref<56x512xi32, #tpu.memory_space<vmem>>, vector<16xi32>,
      %gather3A_137 = tpu.vector_load_idx %arg7[%get3A_136] : memref<100000xf32, #tpu.memory_space<vmem>>[vector<16xi32>], vector<16xf32>,
      %add3A_138 = arith.addf %add3A_130, %gather3A_137 : vector<16xf32>
      %mul3A_139 = arith.constant 16 : i32
      %mul3A_140 = arith.muli %scan3A_23, %mul3A_139 : i32
      %get3A_141 = arith.constant 14 : i32
      %get3A_142 = arith.index_cast %get3A_141 : i32 to index
      %get3A_143 = arith.index_cast %mul3A_140 : i32 to index
      %get3A_144 = tpu.vector_load %arg8[%get3A_142, %get3A_143] {strides = array<i32>} : memref<56x512xi32, #tpu.memory_space<vmem>>, vector<16xi32>,
      %gather3A_145 = tpu.vector_load_idx %arg7[%get3A_144] : memref<100000xf32, #tpu.memory_space<vmem>>[vector<16xi32>], vector<16xf32>,
      %add3A_146 = arith.addf %add3A_138, %gather3A_145 : vector<16xf32>
      %mul3A_147 = arith.constant 16 : i32
      %mul3A_148 = arith.muli %scan3A_23, %mul3A_147 : i32
      %get3A_149 = arith.constant 15 : i32
      %get3A_150 = arith.index_cast %get3A_149 : i32 to index
      %get3A_151 = arith.index_cast %mul3A_148 : i32 to index
      %get3A_152 = tpu.vector_load %arg8[%get3A_150, %get3A_151] {strides = array<i32>} : memref<56x512xi32, #tpu.memory_space<vmem>>, vector<16xi32>,
      %gather3A_153 = tpu.vector_load_idx %arg7[%get3A_152] : memref<100000xf32, #tpu.memory_space<vmem>>[vector<16xi32>], vector<16xf32>,
      %add3A_154 = arith.addf %add3A_146, %gather3A_153 : vector<16xf32>
      %mul3A_155 = arith.constant 16 : i32
      %mul3A_156 = arith.muli %scan3A_23, %mul3A_155 : i32
      %get3A_157 = arith.constant 16 : i32
      %get3A_158 = arith.index_cast %get3A_157 : i32 to index
      %get3A_159 = arith.index_cast %mul3A_156 : i32 to index
      %get3A_160 = tpu.vector_load %arg8[%get3A_158, %get3A_159] {strides = array<i32>} : memref<56x512xi32, #tpu.memory_space<vmem>>, vector<16xi32>,
      %gather3A_161 = tpu.vector_load_idx %arg7[%get3A_160] : memref<100000xf32, #tpu.memory_space<vmem>>[vector<16xi32>], vector<16xf32>,
      %add3A_162 = arith.addf %add3A_154, %gather3A_161 : vector<16xf32>
      %mul3A_163 = arith.constant 16 : i32
      %mul3A_164 = arith.muli %scan3A_23, %mul3A_163 : i32
      %get3A_165 = arith.constant 17 : i32
      %get3A_166 = arith.index_cast %get3A_165 : i32 to index
      %get3A_167 = arith.index_cast %mul3A_164 : i32 to index
      %get3A_168 = tpu.vector_load %arg8[%get3A_166, %get3A_167] {strides = array<i32>} : memref<56x512xi32, #tpu.memory_space<vmem>>, vector<16xi32>,
      %gather3A_169 = tpu.vector_load_idx %arg7[%get3A_168] : memref<100000xf32, #tpu.memory_space<vmem>>[vector<16xi32>], vector<16xf32>,
      %add3A_170 = arith.addf %add3A_162, %gather3A_169 : vector<16xf32>
      %mul3A_171 = arith.constant 16 : i32
      %mul3A_172 = arith.muli %scan3A_23, %mul3A_171 : i32
      %get3A_173 = arith.constant 18 : i32
      %get3A_174 = arith.index_cast %get3A_173 : i32 to index
      %get3A_175 = arith.index_cast %mul3A_172 : i32 to index
      %get3A_176 = tpu.vector_load %arg8[%get3A_174, %get3A_175] {strides = array<i32>} : memref<56x512xi32, #tpu.memory_space<vmem>>, vector<16xi32>,
      %gather3A_177 = tpu.vector_load_idx %arg7[%get3A_176] : memref<100000xf32, #tpu.memory_space<vmem>>[vector<16xi32>], vector<16xf32>,
      %add3A_178 = arith.addf %add3A_170, %gather3A_177 : vector<16xf32>
      %mul3A_179 = arith.constant 16 : i32
      %mul3A_180 = arith.muli %scan3A_23, %mul3A_179 : i32
      %get3A_181 = arith.constant 19 : i32
      %get3A_182 = arith.index_cast %get3A_181 : i32 to index
      %get3A_183 = arith.index_cast %mul3A_180 : i32 to index
      %get3A_184 = tpu.vector_load %arg8[%get3A_182, %get3A_183] {strides = array<i32>} : memref<56x512xi32, #tpu.memory_space<vmem>>, vector<16xi32>,
      %gather3A_185 = tpu.vector_load_idx %arg7[%get3A_184] : memref<100000xf32, #tpu.memory_space<vmem>>[vector<16xi32>], vector<16xf32>,
      %add3A_186 = arith.addf %add3A_178, %gather3A_185 : vector<16xf32>
      %mul3A_187 = arith.constant 16 : i32
      %mul3A_188 = arith.muli %scan3A_23, %mul3A_187 : i32
      %get3A_189 = arith.constant 20 : i32
      %get3A_190 = arith.index_cast %get3A_189 : i32 to index
      %get3A_191 = arith.index_cast %mul3A_188 : i32 to index
      %get3A_192 = tpu.vector_load %arg8[%get3A_190, %get3A_191] {strides = array<i32>} : memref<56x512xi32, #tpu.memory_space<vmem>>, vector<16xi32>,
      %gather3A_193 = tpu.vector_load_idx %arg7[%get3A_192] : memref<100000xf32, #tpu.memory_space<vmem>>[vector<16xi32>], vector<16xf32>,
      %add3A_194 = arith.addf %add3A_186, %gather3A_193 : vector<16xf32>
      %mul3A_195 = arith.constant 16 : i32
      %mul3A_196 = arith.muli %scan3A_23, %mul3A_195 : i32
      %get3A_197 = arith.constant 21 : i32
      %get3A_198 = arith.index_cast %get3A_197 : i32 to index
      %get3A_199 = arith.index_cast %mul3A_196 : i32 to index
      %get3A_200 = tpu.vector_load %arg8[%get3A_198, %get3A_199] {strides = array<i32>} : memref<56x512xi32, #tpu.memory_space<vmem>>, vector<16xi32>,
      %gather3A_201 = tpu.vector_load_idx %arg7[%get3A_200] : memref<100000xf32, #tpu.memory_space<vmem>>[vector<16xi32>], vector<16xf32>,
      %add3A_202 = arith.addf %add3A_194, %gather3A_201 : vector<16xf32>
      %mul3A_203 = arith.constant 16 : i32
      %mul3A_204 = arith.muli %scan3A_23, %mul3A_203 : i32
      %get3A_205 = arith.constant 22 : i32
      %get3A_206 = arith.index_cast %get3A_205 : i32 to index
      %get3A_207 = arith.index_cast %mul3A_204 : i32 to index
      %get3A_208 = tpu.vector_load %arg8[%get3A_206, %get3A_207] {strides = array<i32>} : memref<56x512xi32, #tpu.memory_space<vmem>>, vector<16xi32>,
      %gather3A_209 = tpu.vector_load_idx %arg7[%get3A_208] : memref<100000xf32, #tpu.memory_space<vmem>>[vector<16xi32>], vector<16xf32>,
      %add3A_210 = arith.addf %add3A_202, %gather3A_209 : vector<16xf32>
      %mul3A_211 = arith.constant 16 : i32
      %mul3A_212 = arith.muli %scan3A_23, %mul3A_211 : i32
      %get3A_213 = arith.constant 23 : i32
      %get3A_214 = arith.index_cast %get3A_213 : i32 to index
      %get3A_215 = arith.index_cast %mul3A_212 : i32 to index
      %get3A_216 = tpu.vector_load %arg8[%get3A_214, %get3A_215] {strides = array<i32>} : memref<56x512xi32, #tpu.memory_space<vmem>>, vector<16xi32>,
      %gather3A_217 = tpu.vector_load_idx %arg7[%get3A_216] : memref<100000xf32, #tpu.memory_space<vmem>>[vector<16xi32>], vector<16xf32>,
      %add3A_218 = arith.addf %add3A_210, %gather3A_217 : vector<16xf32>
      %mul3A_219 = arith.constant 16 : i32
      %mul3A_220 = arith.muli %scan3A_23, %mul3A_219 : i32
      %get3A_221 = arith.constant 24 : i32
      %get3A_222 = arith.index_cast %get3A_221 : i32 to index
      %get3A_223 = arith.index_cast %mul3A_220 : i32 to index
      %get3A_224 = tpu.vector_load %arg8[%get3A_222, %get3A_223] {strides = array<i32>} : memref<56x512xi32, #tpu.memory_space<vmem>>, vector<16xi32>,
      %gather3A_225 = tpu.vector_load_idx %arg7[%get3A_224] : memref<100000xf32, #tpu.memory_space<vmem>>[vector<16xi32>], vector<16xf32>,
      %add3A_226 = arith.addf %add3A_218, %gather3A_225 : vector<16xf32>
      %mul3A_227 = arith.constant 16 : i32
      %mul3A_228 = arith.muli %scan3A_23, %mul3A_227 : i32
      %get3A_229 = arith.constant 25 : i32
      %get3A_230 = arith.index_cast %get3A_229 : i32 to index
      %get3A_231 = arith.index_cast %mul3A_228 : i32 to index
      %get3A_232 = tpu.vector_load %arg8[%get3A_230, %get3A_231] {strides = array<i32>} : memref<56x512xi32, #tpu.memory_space<vmem>>, vector<16xi32>,
      %gather3A_233 = tpu.vector_load_idx %arg7[%get3A_232] : memref<100000xf32, #tpu.memory_space<vmem>>[vector<16xi32>], vector<16xf32>,
      %add3A_234 = arith.addf %add3A_226, %gather3A_233 : vector<16xf32>
      %mul3A_235 = arith.constant 16 : i32
      %mul3A_236 = arith.muli %scan3A_23, %mul3A_235 : i32
      %get3A_237 = arith.constant 26 : i32
      %get3A_238 = arith.index_cast %get3A_237 : i32 to index
      %get3A_239 = arith.index_cast %mul3A_236 : i32 to index
      %get3A_240 = tpu.vector_load %arg8[%get3A_238, %get3A_239] {strides = array<i32>} : memref<56x512xi32, #tpu.memory_space<vmem>>, vector<16xi32>,
      %gather3A_241 = tpu.vector_load_idx %arg7[%get3A_240] : memref<100000xf32, #tpu.memory_space<vmem>>[vector<16xi32>], vector<16xf32>,
      %add3A_242 = arith.addf %add3A_234, %gather3A_241 : vector<16xf32>
      %mul3A_243 = arith.constant 16 : i32
      %mul3A_244 = arith.muli %scan3A_23, %mul3A_243 : i32
      %get3A_245 = arith.constant 27 : i32
      %get3A_246 = arith.index_cast %get3A_245 : i32 to index
      %get3A_247 = arith.index_cast %mul3A_244 : i32 to index
      %get3A_248 = tpu.vector_load %arg8[%get3A_246, %get3A_247] {strides = array<i32>} : memref<56x512xi32, #tpu.memory_space<vmem>>, vector<16xi32>,
      %gather3A_249 = tpu.vector_load_idx %arg7[%get3A_248] : memref<100000xf32, #tpu.memory_space<vmem>>[vector<16xi32>], vector<16xf32>,
      %add3A_250 = arith.addf %add3A_242, %gather3A_249 : vector<16xf32>
      %mul3A_251 = arith.constant 16 : i32
      %mul3A_252 = arith.muli %scan3A_23, %mul3A_251 : i32
      %get3A_253 = arith.constant 28 : i32
      %get3A_254 = arith.index_cast %get3A_253 : i32 to index
      %get3A_255 = arith.index_cast %mul3A_252 : i32 to index
      %get3A_256 = tpu.vector_load %arg8[%get3A_254, %get3A_255] {strides = array<i32>} : memref<56x512xi32, #tpu.memory_space<vmem>>, vector<16xi32>,
      %gather3A_257 = tpu.vector_load_idx %arg7[%get3A_256] : memref<100000xf32, #tpu.memory_space<vmem>>[vector<16xi32>], vector<16xf32>,
      %add3A_258 = arith.addf %add3A_250, %gather3A_257 : vector<16xf32>
      %mul3A_259 = arith.constant 16 : i32
      %mul3A_260 = arith.muli %scan3A_23, %mul3A_259 : i32
      %get3A_261 = arith.constant 29 : i32
      %get3A_262 = arith.index_cast %get3A_261 : i32 to index
      %get3A_263 = arith.index_cast %mul3A_260 : i32 to index
      %get3A_264 = tpu.vector_load %arg8[%get3A_262, %get3A_263] {strides = array<i32>} : memref<56x512xi32, #tpu.memory_space<vmem>>, vector<16xi32>,
      %gather3A_265 = tpu.vector_load_idx %arg7[%get3A_264] : memref<100000xf32, #tpu.memory_space<vmem>>[vector<16xi32>], vector<16xf32>,
      %add3A_266 = arith.addf %add3A_258, %gather3A_265 : vector<16xf32>
      %mul3A_267 = arith.constant 16 : i32
      %mul3A_268 = arith.muli %scan3A_23, %mul3A_267 : i32
      %get3A_269 = arith.constant 30 : i32
      %get3A_270 = arith.index_cast %get3A_269 : i32 to index
      %get3A_271 = arith.index_cast %mul3A_268 : i32 to index
      %get3A_272 = tpu.vector_load %arg8[%get3A_270, %get3A_271] {strides = array<i32>} : memref<56x512xi32, #tpu.memory_space<vmem>>, vector<16xi32>,
      %gather3A_273 = tpu.vector_load_idx %arg7[%get3A_272] : memref<100000xf32, #tpu.memory_space<vmem>>[vector<16xi32>], vector<16xf32>,
      %add3A_274 = arith.addf %add3A_266, %gather3A_273 : vector<16xf32>
      %mul3A_275 = arith.constant 16 : i32
      %mul3A_276 = arith.muli %scan3A_23, %mul3A_275 : i32
      %get3A_277 = arith.constant 31 : i32
      %get3A_278 = arith.index_cast %get3A_277 : i32 to index
      %get3A_279 = arith.index_cast %mul3A_276 : i32 to index
      %get3A_280 = tpu.vector_load %arg8[%get3A_278, %get3A_279] {strides = array<i32>} : memref<56x512xi32, #tpu.memory_space<vmem>>, vector<16xi32>,
      %gather3A_281 = tpu.vector_load_idx %arg7[%get3A_280] : memref<100000xf32, #tpu.memory_space<vmem>>[vector<16xi32>], vector<16xf32>,
      %add3A_282 = arith.addf %add3A_274, %gather3A_281 : vector<16xf32>
      %mul3A_283 = arith.constant 16 : i32
      %mul3A_284 = arith.muli %scan3A_23, %mul3A_283 : i32
      %get3A_285 = arith.constant 32 : i32
      %get3A_286 = arith.index_cast %get3A_285 : i32 to index
      %get3A_287 = arith.index_cast %mul3A_284 : i32 to index
      %get3A_288 = tpu.vector_load %arg8[%get3A_286, %get3A_287] {strides = array<i32>} : memref<56x512xi32, #tpu.memory_space<vmem>>, vector<16xi32>,
      %gather3A_289 = tpu.vector_load_idx %arg7[%get3A_288] : memref<100000xf32, #tpu.memory_space<vmem>>[vector<16xi32>], vector<16xf32>,
      %add3A_290 = arith.addf %add3A_282, %gather3A_289 : vector<16xf32>
      %mul3A_291 = arith.constant 16 : i32
      %mul3A_292 = arith.muli %scan3A_23, %mul3A_291 : i32
      %get3A_293 = arith.constant 33 : i32
      %get3A_294 = arith.index_cast %get3A_293 : i32 to index
      %get3A_295 = arith.index_cast %mul3A_292 : i32 to index
      %get3A_296 = tpu.vector_load %arg8[%get3A_294, %get3A_295] {strides = array<i32>} : memref<56x512xi32, #tpu.memory_space<vmem>>, vector<16xi32>,
      %gather3A_297 = tpu.vector_load_idx %arg7[%get3A_296] : memref<100000xf32, #tpu.memory_space<vmem>>[vector<16xi32>], vector<16xf32>,
      %add3A_298 = arith.addf %add3A_290, %gather3A_297 : vector<16xf32>
      %mul3A_299 = arith.constant 16 : i32
      %mul3A_300 = arith.muli %scan3A_23, %mul3A_299 : i32
      %get3A_301 = arith.constant 34 : i32
      %get3A_302 = arith.index_cast %get3A_301 : i32 to index
      %get3A_303 = arith.index_cast %mul3A_300 : i32 to index
      %get3A_304 = tpu.vector_load %arg8[%get3A_302, %get3A_303] {strides = array<i32>} : memref<56x512xi32, #tpu.memory_space<vmem>>, vector<16xi32>,
      %gather3A_305 = tpu.vector_load_idx %arg7[%get3A_304] : memref<100000xf32, #tpu.memory_space<vmem>>[vector<16xi32>], vector<16xf32>,
      %add3A_306 = arith.addf %add3A_298, %gather3A_305 : vector<16xf32>
      %mul3A_307 = arith.constant 16 : i32
      %mul3A_308 = arith.muli %scan3A_23, %mul3A_307 : i32
      %get3A_309 = arith.constant 35 : i32
      %get3A_310 = arith.index_cast %get3A_309 : i32 to index
      %get3A_311 = arith.index_cast %mul3A_308 : i32 to index
      %get3A_312 = tpu.vector_load %arg8[%get3A_310, %get3A_311] {strides = array<i32>} : memref<56x512xi32, #tpu.memory_space<vmem>>, vector<16xi32>,
      %gather3A_313 = tpu.vector_load_idx %arg7[%get3A_312] : memref<100000xf32, #tpu.memory_space<vmem>>[vector<16xi32>], vector<16xf32>,
      %add3A_314 = arith.addf %add3A_306, %gather3A_313 : vector<16xf32>
      %mul3A_315 = arith.constant 16 : i32
      %mul3A_316 = arith.muli %scan3A_23, %mul3A_315 : i32
      %get3A_317 = arith.constant 36 : i32
      %get3A_318 = arith.index_cast %get3A_317 : i32 to index
      %get3A_319 = arith.index_cast %mul3A_316 : i32 to index
      %get3A_320 = tpu.vector_load %arg8[%get3A_318, %get3A_319] {strides = array<i32>} : memref<56x512xi32, #tpu.memory_space<vmem>>, vector<16xi32>,
      %gather3A_321 = tpu.vector_load_idx %arg7[%get3A_320] : memref<100000xf32, #tpu.memory_space<vmem>>[vector<16xi32>], vector<16xf32>,
      %add3A_322 = arith.addf %add3A_314, %gather3A_321 : vector<16xf32>
      %mul3A_323 = arith.constant 16 : i32
      %mul3A_324 = arith.muli %scan3A_23, %mul3A_323 : i32
      %get3A_325 = arith.constant 37 : i32
      %get3A_326 = arith.index_cast %get3A_325 : i32 to index
      %get3A_327 = arith.index_cast %mul3A_324 : i32 to index
      %get3A_328 = tpu.vector_load %arg8[%get3A_326, %get3A_327] {strides = array<i32>} : memref<56x512xi32, #tpu.memory_space<vmem>>, vector<16xi32>,
      %gather3A_329 = tpu.vector_load_idx %arg7[%get3A_328] : memref<100000xf32, #tpu.memory_space<vmem>>[vector<16xi32>], vector<16xf32>,
      %add3A_330 = arith.addf %add3A_322, %gather3A_329 : vector<16xf32>
      %mul3A_331 = arith.constant 16 : i32
      %mul3A_332 = arith.muli %scan3A_23, %mul3A_331 : i32
      %get3A_333 = arith.constant 38 : i32
      %get3A_334 = arith.index_cast %get3A_333 : i32 to index
      %get3A_335 = arith.index_cast %mul3A_332 : i32 to index
      %get3A_336 = tpu.vector_load %arg8[%get3A_334, %get3A_335] {strides = array<i32>} : memref<56x512xi32, #tpu.memory_space<vmem>>, vector<16xi32>,
      %gather3A_337 = tpu.vector_load_idx %arg7[%get3A_336] : memref<100000xf32, #tpu.memory_space<vmem>>[vector<16xi32>], vector<16xf32>,
      %add3A_338 = arith.addf %add3A_330, %gather3A_337 : vector<16xf32>
      %mul3A_339 = arith.constant 16 : i32
      %mul3A_340 = arith.muli %scan3A_23, %mul3A_339 : i32
      %get3A_341 = arith.constant 39 : i32
      %get3A_342 = arith.index_cast %get3A_341 : i32 to index
      %get3A_343 = arith.index_cast %mul3A_340 : i32 to index
      %get3A_344 = tpu.vector_load %arg8[%get3A_342, %get3A_343] {strides = array<i32>} : memref<56x512xi32, #tpu.memory_space<vmem>>, vector<16xi32>,
      %gather3A_345 = tpu.vector_load_idx %arg7[%get3A_344] : memref<100000xf32, #tpu.memory_space<vmem>>[vector<16xi32>], vector<16xf32>,
      %add3A_346 = arith.addf %add3A_338, %gather3A_345 : vector<16xf32>
      %mul3A_347 = arith.constant 16 : i32
      %mul3A_348 = arith.muli %scan3A_23, %mul3A_347 : i32
      %get3A_349 = arith.constant 40 : i32
      %get3A_350 = arith.index_cast %get3A_349 : i32 to index
      %get3A_351 = arith.index_cast %mul3A_348 : i32 to index
      %get3A_352 = tpu.vector_load %arg8[%get3A_350, %get3A_351] {strides = array<i32>} : memref<56x512xi32, #tpu.memory_space<vmem>>, vector<16xi32>,
      %gather3A_353 = tpu.vector_load_idx %arg7[%get3A_352] : memref<100000xf32, #tpu.memory_space<vmem>>[vector<16xi32>], vector<16xf32>,
      %add3A_354 = arith.addf %add3A_346, %gather3A_353 : vector<16xf32>
      %mul3A_355 = arith.constant 16 : i32
      %mul3A_356 = arith.muli %scan3A_23, %mul3A_355 : i32
      %get3A_357 = arith.constant 41 : i32
      %get3A_358 = arith.index_cast %get3A_357 : i32 to index
      %get3A_359 = arith.index_cast %mul3A_356 : i32 to index
      %get3A_360 = tpu.vector_load %arg8[%get3A_358, %get3A_359] {strides = array<i32>} : memref<56x512xi32, #tpu.memory_space<vmem>>, vector<16xi32>,
      %gather3A_361 = tpu.vector_load_idx %arg7[%get3A_360] : memref<100000xf32, #tpu.memory_space<vmem>>[vector<16xi32>], vector<16xf32>,
      %add3A_362 = arith.addf %add3A_354, %gather3A_361 : vector<16xf32>
      %mul3A_363 = arith.constant 16 : i32
      %mul3A_364 = arith.muli %scan3A_23, %mul3A_363 : i32
      %get3A_365 = arith.constant 42 : i32
      %get3A_366 = arith.index_cast %get3A_365 : i32 to index
      %get3A_367 = arith.index_cast %mul3A_364 : i32 to index
      %get3A_368 = tpu.vector_load %arg8[%get3A_366, %get3A_367] {strides = array<i32>} : memref<56x512xi32, #tpu.memory_space<vmem>>, vector<16xi32>,
      %gather3A_369 = tpu.vector_load_idx %arg7[%get3A_368] : memref<100000xf32, #tpu.memory_space<vmem>>[vector<16xi32>], vector<16xf32>,
      %add3A_370 = arith.addf %add3A_362, %gather3A_369 : vector<16xf32>
      %mul3A_371 = arith.constant 16 : i32
      %mul3A_372 = arith.muli %scan3A_23, %mul3A_371 : i32
      %get3A_373 = arith.constant 43 : i32
      %get3A_374 = arith.index_cast %get3A_373 : i32 to index
      %get3A_375 = arith.index_cast %mul3A_372 : i32 to index
      %get3A_376 = tpu.vector_load %arg8[%get3A_374, %get3A_375] {strides = array<i32>} : memref<56x512xi32, #tpu.memory_space<vmem>>, vector<16xi32>,
      %gather3A_377 = tpu.vector_load_idx %arg7[%get3A_376] : memref<100000xf32, #tpu.memory_space<vmem>>[vector<16xi32>], vector<16xf32>,
      %add3A_378 = arith.addf %add3A_370, %gather3A_377 : vector<16xf32>
      %mul3A_379 = arith.constant 16 : i32
      %mul3A_380 = arith.muli %scan3A_23, %mul3A_379 : i32
      %get3A_381 = arith.constant 44 : i32
      %get3A_382 = arith.index_cast %get3A_381 : i32 to index
      %get3A_383 = arith.index_cast %mul3A_380 : i32 to index
      %get3A_384 = tpu.vector_load %arg8[%get3A_382, %get3A_383] {strides = array<i32>} : memref<56x512xi32, #tpu.memory_space<vmem>>, vector<16xi32>,
      %gather3A_385 = tpu.vector_load_idx %arg7[%get3A_384] : memref<100000xf32, #tpu.memory_space<vmem>>[vector<16xi32>], vector<16xf32>,
      %add3A_386 = arith.addf %add3A_378, %gather3A_385 : vector<16xf32>
      %mul3A_387 = arith.constant 16 : i32
      %mul3A_388 = arith.muli %scan3A_23, %mul3A_387 : i32
      %get3A_389 = arith.constant 45 : i32
      %get3A_390 = arith.index_cast %get3A_389 : i32 to index
      %get3A_391 = arith.index_cast %mul3A_388 : i32 to index
      %get3A_392 = tpu.vector_load %arg8[%get3A_390, %get3A_391] {strides = array<i32>} : memref<56x512xi32, #tpu.memory_space<vmem>>, vector<16xi32>,
      %gather3A_393 = tpu.vector_load_idx %arg7[%get3A_392] : memref<100000xf32, #tpu.memory_space<vmem>>[vector<16xi32>], vector<16xf32>,
      %add3A_394 = arith.addf %add3A_386, %gather3A_393 : vector<16xf32>
      %mul3A_395 = arith.constant 16 : i32
      %mul3A_396 = arith.muli %scan3A_23, %mul3A_395 : i32
      %get3A_397 = arith.constant 46 : i32
      %get3A_398 = arith.index_cast %get3A_397 : i32 to index
      %get3A_399 = arith.index_cast %mul3A_396 : i32 to index
      %get3A_400 = tpu.vector_load %arg8[%get3A_398, %get3A_399] {strides = array<i32>} : memref<56x512xi32, #tpu.memory_space<vmem>>, vector<16xi32>,
      %gather3A_401 = tpu.vector_load_idx %arg7[%get3A_400] : memref<100000xf32, #tpu.memory_space<vmem>>[vector<16xi32>], vector<16xf32>,
      %add3A_402 = arith.addf %add3A_394, %gather3A_401 : vector<16xf32>
      %mul3A_403 = arith.constant 16 : i32
      %mul3A_404 = arith.muli %scan3A_23, %mul3A_403 : i32
      %get3A_405 = arith.constant 47 : i32
      %get3A_406 = arith.index_cast %get3A_405 : i32 to index
      %get3A_407 = arith.index_cast %mul3A_404 : i32 to index
      %get3A_408 = tpu.vector_load %arg8[%get3A_406, %get3A_407] {strides = array<i32>} : memref<56x512xi32, #tpu.memory_space<vmem>>, vector<16xi32>,
      %gather3A_409 = tpu.vector_load_idx %arg7[%get3A_408] : memref<100000xf32, #tpu.memory_space<vmem>>[vector<16xi32>], vector<16xf32>,
      %add3A_410 = arith.addf %add3A_402, %gather3A_409 : vector<16xf32>
      %mul3A_411 = arith.constant 16 : i32
      %mul3A_412 = arith.muli %scan3A_23, %mul3A_411 : i32
      %get3A_413 = arith.constant 48 : i32
      %get3A_414 = arith.index_cast %get3A_413 : i32 to index
      %get3A_415 = arith.index_cast %mul3A_412 : i32 to index
      %get3A_416 = tpu.vector_load %arg8[%get3A_414, %get3A_415] {strides = array<i32>} : memref<56x512xi32, #tpu.memory_space<vmem>>, vector<16xi32>,
      %gather3A_417 = tpu.vector_load_idx %arg7[%get3A_416] : memref<100000xf32, #tpu.memory_space<vmem>>[vector<16xi32>], vector<16xf32>,
      %add3A_418 = arith.addf %add3A_410, %gather3A_417 : vector<16xf32>
      %mul3A_419 = arith.constant 16 : i32
      %mul3A_420 = arith.muli %scan3A_23, %mul3A_419 : i32
      %get3A_421 = arith.constant 49 : i32
      %get3A_422 = arith.index_cast %get3A_421 : i32 to index
      %get3A_423 = arith.index_cast %mul3A_420 : i32 to index
      %get3A_424 = tpu.vector_load %arg8[%get3A_422, %get3A_423] {strides = array<i32>} : memref<56x512xi32, #tpu.memory_space<vmem>>, vector<16xi32>,
      %gather3A_425 = tpu.vector_load_idx %arg7[%get3A_424] : memref<100000xf32, #tpu.memory_space<vmem>>[vector<16xi32>], vector<16xf32>,
      %add3A_426 = arith.addf %add3A_418, %gather3A_425 : vector<16xf32>
      %mul3A_427 = arith.constant 16 : i32
      %mul3A_428 = arith.muli %scan3A_23, %mul3A_427 : i32
      %get3A_429 = arith.index_cast %mul3A_428 : i32 to index
      %get3A_430 = tpu.vector_load %arg10[%get3A_429] {strides = array<i32>} : memref<512xf32, #tpu.memory_space<vmem>>, vector<16xf32>,
      %add3A_431 = arith.addf %add3A_426, %get3A_430 : vector<16xf32>
      %neg3A = arith.constant 0.000000e+00 : f32
      %neg3A_432 = vector.broadcast %neg3A : f32 to vector<16xf32>
      %neg3A_433 = arith.subf %neg3A_432, %add3A_431 : vector<16xf32>
      %exp3A = math.exp %neg3A_433 : vector<16xf32>
      %add3A_434 = arith.constant 1.000000e+00 : f32
      %add3A_435 = vector.broadcast %add3A_434 : f32 to vector<16xf32>
      %add3A_436 = arith.addf %add3A_435, %exp3A : vector<16xf32>
      %div3A = arith.constant 1.000000e+00 : f32
      %div3A_437 = vector.broadcast %div3A : f32 to vector<16xf32>
      %div3A_438 = arith.divf %div3A_437, %add3A_436 : vector<16xf32>
      %mul3A_439 = arith.constant 16 : i32
      %mul3A_440 = arith.muli %scan3A_23, %mul3A_439 : i32
      %swap3A = arith.index_cast %mul3A_440 : i32 to index
      %swap3A_441 = tpu.vector_load %arg10[%swap3A] {strides = array<i32>} : memref<512xf32, #tpu.memory_space<vmem>>, vector<16xf32>,
      tpu.vector_store %arg10[%swap3A], %div3A_438 {strides = array<i32>} : memref<512xf32, #tpu.memory_space<vmem>>, vector<16xf32>,
      %scan3A_442 = arith.constant 0 : i32
      scf.yield %scan3A_442 : i32
    }
    %scan3A_22 = arith.constant 32 : i32
    "tpu.region"() ({
      %run_scoped3A = tpu.sem_alloc : memref<!tpu.dma_semaphore, #tpu.memory_space<semaphore_mem>>
      %dma_start3A_23 = tpu.memref_slice %arg6[%mul3A_2] : memref<16384xf32, #tpu.memory_space<hbm>> -> memref<512xf32, #tpu.memory_space<hbm>>
      %dma_start3A_24 = tpu.memref_slice %arg6[%mul3A_2] : memref<16384xf32, #tpu.memory_space<hbm>> -> memref<512xf32, #tpu.memory_space<hbm>>
      tpu.enqueue_dma source(%arg10 : memref<512xf32, #tpu.memory_space<vmem>>) target(%dma_start3A_24 : memref<512xf32, #tpu.memory_space<hbm>>) target_semaphore(%run_scoped3A : memref<!tpu.dma_semaphore, #tpu.memory_space<semaphore_mem>>)
      %dma_wait3A_25 = tpu.memref_slice %arg6[%mul3A_2] : memref<16384xf32, #tpu.memory_space<hbm>> -> memref<512xf32, #tpu.memory_space<hbm>>
      %dma_wait3A_26 = tpu.memref_slice %arg6[%mul3A_2] : memref<16384xf32, #tpu.memory_space<hbm>> -> memref<512xf32, #tpu.memory_space<hbm>>
      tpu.wait_dma2 semaphore(%run_scoped3A : memref<!tpu.dma_semaphore, #tpu.memory_space<semaphore_mem>>) src(%arg10 : memref<512xf32, #tpu.memory_space<vmem>>) dst(%dma_wait3A_26 : memref<512xf32, #tpu.memory_space<hbm>>)
      tpu.yield
    }) : () -> ()
    return
  }
}

#map = affine_map<(d0, d1) -> (0)>
#map1 = affine_map<(d0, d1) -> (0, 0)>
module attributes {stable_mosaic.version = 14 : i64} {
  func.func @sc_fn(%arg0: i32, %arg1: i32, %arg2: memref<26000xf32, #tpu.memory_space<hbm>>, %arg3: memref<32x16384xi32, #tpu.memory_space<hbm>>, %arg4: memref<16384xf32, #tpu.memory_space<hbm>>, %arg5: memref<26000xf32, #tpu.memory_space<vmem>>, %arg6: memref<32x512xi32, #tpu.memory_space<vmem>>, %arg7: memref<512xf32, #tpu.memory_space<vmem>>, %arg8: memref<!tpu.dma_semaphore, #tpu.memory_space<semaphore_mem>>) attributes {dimension_semantics = [#tpu.dimension_semantics<core_parallel>, #tpu.dimension_semantics<subcore_parallel>], iteration_bounds = array<i64: 2, 16>, scalar_prefetch = 0 : i64, scratch_operands = 4 : i64, tpu.core_type = #tpu.core_type<sc_vector_subcore>, window_params = [{transform_indices = #map}, {transform_indices = #map1}, {transform_indices = #map}]} {
    %mul3A = arith.constant 2 : i32
    %mul3A_0 = arith.muli %arg1, %mul3A : i32
    %add3A = arith.addi %mul3A_0, %arg0 : i32
    %mul3A_1 = arith.constant 512 : i32
    %mul3A_2 = arith.muli %add3A, %mul3A_1 : i32
    %dma_start3A = arith.constant 0 : i32
    %dma_start3A_3 = tpu.memref_slice %arg3[%dma_start3A, %mul3A_2] : memref<32x16384xi32, #tpu.memory_space<hbm>> -> memref<32x512xi32, #tpu.memory_space<hbm>>
    %dma_start3A_4 = arith.constant 0 : i32
    %dma_start3A_5 = tpu.memref_slice %arg3[%dma_start3A_4, %mul3A_2] : memref<32x16384xi32, #tpu.memory_space<hbm>> -> memref<32x512xi32, #tpu.memory_space<hbm>>
    tpu.enqueue_dma source(%dma_start3A_5 : memref<32x512xi32, #tpu.memory_space<hbm>>) target(%arg6 : memref<32x512xi32, #tpu.memory_space<vmem>>) target_semaphore(%arg8 : memref<!tpu.dma_semaphore, #tpu.memory_space<semaphore_mem>>)
    "tpu.region"() ({
      %run_scoped3A = tpu.sem_alloc : memref<!tpu.dma_semaphore, #tpu.memory_space<semaphore_mem>>
      tpu.enqueue_dma source(%arg2 : memref<26000xf32, #tpu.memory_space<hbm>>) target(%arg5 : memref<26000xf32, #tpu.memory_space<vmem>>) target_semaphore(%run_scoped3A : memref<!tpu.dma_semaphore, #tpu.memory_space<semaphore_mem>>)
      tpu.wait_dma2 semaphore(%run_scoped3A : memref<!tpu.dma_semaphore, #tpu.memory_space<semaphore_mem>>) src(%arg2 : memref<26000xf32, #tpu.memory_space<hbm>>) dst(%arg5 : memref<26000xf32, #tpu.memory_space<vmem>>)
      tpu.yield
    }) : () -> ()
    %dma_wait3A = arith.constant 0 : i32
    %dma_wait3A_6 = tpu.memref_slice %arg3[%dma_wait3A, %mul3A_2] : memref<32x16384xi32, #tpu.memory_space<hbm>> -> memref<32x512xi32, #tpu.memory_space<hbm>>
    %dma_wait3A_7 = arith.constant 0 : i32
    %dma_wait3A_8 = tpu.memref_slice %arg3[%dma_wait3A_7, %mul3A_2] : memref<32x16384xi32, #tpu.memory_space<hbm>> -> memref<32x512xi32, #tpu.memory_space<hbm>>
    tpu.wait_dma2 semaphore(%arg8 : memref<!tpu.dma_semaphore, #tpu.memory_space<semaphore_mem>>) src(%dma_wait3A_8 : memref<32x512xi32, #tpu.memory_space<hbm>>) dst(%arg6 : memref<32x512xi32, #tpu.memory_space<vmem>>)
    %scan3A = arith.constant 0 : i32
    %scan3A_9 = arith.constant 0 : i32
    %scan3A_10 = arith.constant 32 : i32
    %scan3A_11 = arith.addi %scan3A_9, %scan3A_10 : i32
    %scan3A_12 = arith.constant 1 : i32
    %scan3A_13 = scf.for %scan3A_15 = %scan3A_9 to %scan3A_11 step %scan3A_12 iter_args(%scan3A_16 = %scan3A) -> (i32)  : i32 {
      %broadcast_in_dim3A = arith.constant 0.000000e+00 : f32
      %broadcast_in_dim3A_17 = vector.broadcast %broadcast_in_dim3A : f32 to vector<16xf32>
      %mul3A_18 = arith.constant 16 : i32
      %mul3A_19 = arith.muli %scan3A_15, %mul3A_18 : i32
      %get3A = arith.constant 0 : i32
      %get3A_20 = arith.index_cast %get3A : i32 to index
      %get3A_21 = arith.index_cast %mul3A_19 : i32 to index
      %get3A_22 = tpu.vector_load %arg6[%get3A_20, %get3A_21] {strides = array<i32>} : memref<32x512xi32, #tpu.memory_space<vmem>>, vector<16xi32>,
      %add3A_23 = arith.constant 0 : i32
      %add3A_24 = vector.broadcast %add3A_23 : i32 to vector<16xi32>
      %add3A_25 = arith.addi %get3A_22, %add3A_24 : vector<16xi32>
      %gather3A = tpu.vector_load_idx %arg5[%add3A_25] : memref<26000xf32, #tpu.memory_space<vmem>>[vector<16xi32>], vector<16xf32>,
      %add3A_26 = arith.addf %broadcast_in_dim3A_17, %gather3A : vector<16xf32>
      %mul3A_27 = arith.constant 16 : i32
      %mul3A_28 = arith.muli %scan3A_15, %mul3A_27 : i32
      %get3A_29 = arith.constant 1 : i32
      %get3A_30 = arith.index_cast %get3A_29 : i32 to index
      %get3A_31 = arith.index_cast %mul3A_28 : i32 to index
      %get3A_32 = tpu.vector_load %arg6[%get3A_30, %get3A_31] {strides = array<i32>} : memref<32x512xi32, #tpu.memory_space<vmem>>, vector<16xi32>,
      %add3A_33 = arith.constant 1000 : i32
      %add3A_34 = vector.broadcast %add3A_33 : i32 to vector<16xi32>
      %add3A_35 = arith.addi %get3A_32, %add3A_34 : vector<16xi32>
      %gather3A_36 = tpu.vector_load_idx %arg5[%add3A_35] : memref<26000xf32, #tpu.memory_space<vmem>>[vector<16xi32>], vector<16xf32>,
      %add3A_37 = arith.addf %add3A_26, %gather3A_36 : vector<16xf32>
      %mul3A_38 = arith.constant 16 : i32
      %mul3A_39 = arith.muli %scan3A_15, %mul3A_38 : i32
      %get3A_40 = arith.constant 2 : i32
      %get3A_41 = arith.index_cast %get3A_40 : i32 to index
      %get3A_42 = arith.index_cast %mul3A_39 : i32 to index
      %get3A_43 = tpu.vector_load %arg6[%get3A_41, %get3A_42] {strides = array<i32>} : memref<32x512xi32, #tpu.memory_space<vmem>>, vector<16xi32>,
      %add3A_44 = arith.constant 2000 : i32
      %add3A_45 = vector.broadcast %add3A_44 : i32 to vector<16xi32>
      %add3A_46 = arith.addi %get3A_43, %add3A_45 : vector<16xi32>
      %gather3A_47 = tpu.vector_load_idx %arg5[%add3A_46] : memref<26000xf32, #tpu.memory_space<vmem>>[vector<16xi32>], vector<16xf32>,
      %add3A_48 = arith.addf %add3A_37, %gather3A_47 : vector<16xf32>
      %mul3A_49 = arith.constant 16 : i32
      %mul3A_50 = arith.muli %scan3A_15, %mul3A_49 : i32
      %get3A_51 = arith.constant 3 : i32
      %get3A_52 = arith.index_cast %get3A_51 : i32 to index
      %get3A_53 = arith.index_cast %mul3A_50 : i32 to index
      %get3A_54 = tpu.vector_load %arg6[%get3A_52, %get3A_53] {strides = array<i32>} : memref<32x512xi32, #tpu.memory_space<vmem>>, vector<16xi32>,
      %add3A_55 = arith.constant 3000 : i32
      %add3A_56 = vector.broadcast %add3A_55 : i32 to vector<16xi32>
      %add3A_57 = arith.addi %get3A_54, %add3A_56 : vector<16xi32>
      %gather3A_58 = tpu.vector_load_idx %arg5[%add3A_57] : memref<26000xf32, #tpu.memory_space<vmem>>[vector<16xi32>], vector<16xf32>,
      %add3A_59 = arith.addf %add3A_48, %gather3A_58 : vector<16xf32>
      %mul3A_60 = arith.constant 16 : i32
      %mul3A_61 = arith.muli %scan3A_15, %mul3A_60 : i32
      %get3A_62 = arith.constant 4 : i32
      %get3A_63 = arith.index_cast %get3A_62 : i32 to index
      %get3A_64 = arith.index_cast %mul3A_61 : i32 to index
      %get3A_65 = tpu.vector_load %arg6[%get3A_63, %get3A_64] {strides = array<i32>} : memref<32x512xi32, #tpu.memory_space<vmem>>, vector<16xi32>,
      %add3A_66 = arith.constant 4000 : i32
      %add3A_67 = vector.broadcast %add3A_66 : i32 to vector<16xi32>
      %add3A_68 = arith.addi %get3A_65, %add3A_67 : vector<16xi32>
      %gather3A_69 = tpu.vector_load_idx %arg5[%add3A_68] : memref<26000xf32, #tpu.memory_space<vmem>>[vector<16xi32>], vector<16xf32>,
      %add3A_70 = arith.addf %add3A_59, %gather3A_69 : vector<16xf32>
      %mul3A_71 = arith.constant 16 : i32
      %mul3A_72 = arith.muli %scan3A_15, %mul3A_71 : i32
      %get3A_73 = arith.constant 5 : i32
      %get3A_74 = arith.index_cast %get3A_73 : i32 to index
      %get3A_75 = arith.index_cast %mul3A_72 : i32 to index
      %get3A_76 = tpu.vector_load %arg6[%get3A_74, %get3A_75] {strides = array<i32>} : memref<32x512xi32, #tpu.memory_space<vmem>>, vector<16xi32>,
      %add3A_77 = arith.constant 5000 : i32
      %add3A_78 = vector.broadcast %add3A_77 : i32 to vector<16xi32>
      %add3A_79 = arith.addi %get3A_76, %add3A_78 : vector<16xi32>
      %gather3A_80 = tpu.vector_load_idx %arg5[%add3A_79] : memref<26000xf32, #tpu.memory_space<vmem>>[vector<16xi32>], vector<16xf32>,
      %add3A_81 = arith.addf %add3A_70, %gather3A_80 : vector<16xf32>
      %mul3A_82 = arith.constant 16 : i32
      %mul3A_83 = arith.muli %scan3A_15, %mul3A_82 : i32
      %get3A_84 = arith.constant 6 : i32
      %get3A_85 = arith.index_cast %get3A_84 : i32 to index
      %get3A_86 = arith.index_cast %mul3A_83 : i32 to index
      %get3A_87 = tpu.vector_load %arg6[%get3A_85, %get3A_86] {strides = array<i32>} : memref<32x512xi32, #tpu.memory_space<vmem>>, vector<16xi32>,
      %add3A_88 = arith.constant 6000 : i32
      %add3A_89 = vector.broadcast %add3A_88 : i32 to vector<16xi32>
      %add3A_90 = arith.addi %get3A_87, %add3A_89 : vector<16xi32>
      %gather3A_91 = tpu.vector_load_idx %arg5[%add3A_90] : memref<26000xf32, #tpu.memory_space<vmem>>[vector<16xi32>], vector<16xf32>,
      %add3A_92 = arith.addf %add3A_81, %gather3A_91 : vector<16xf32>
      %mul3A_93 = arith.constant 16 : i32
      %mul3A_94 = arith.muli %scan3A_15, %mul3A_93 : i32
      %get3A_95 = arith.constant 7 : i32
      %get3A_96 = arith.index_cast %get3A_95 : i32 to index
      %get3A_97 = arith.index_cast %mul3A_94 : i32 to index
      %get3A_98 = tpu.vector_load %arg6[%get3A_96, %get3A_97] {strides = array<i32>} : memref<32x512xi32, #tpu.memory_space<vmem>>, vector<16xi32>,
      %add3A_99 = arith.constant 7000 : i32
      %add3A_100 = vector.broadcast %add3A_99 : i32 to vector<16xi32>
      %add3A_101 = arith.addi %get3A_98, %add3A_100 : vector<16xi32>
      %gather3A_102 = tpu.vector_load_idx %arg5[%add3A_101] : memref<26000xf32, #tpu.memory_space<vmem>>[vector<16xi32>], vector<16xf32>,
      %add3A_103 = arith.addf %add3A_92, %gather3A_102 : vector<16xf32>
      %mul3A_104 = arith.constant 16 : i32
      %mul3A_105 = arith.muli %scan3A_15, %mul3A_104 : i32
      %get3A_106 = arith.constant 8 : i32
      %get3A_107 = arith.index_cast %get3A_106 : i32 to index
      %get3A_108 = arith.index_cast %mul3A_105 : i32 to index
      %get3A_109 = tpu.vector_load %arg6[%get3A_107, %get3A_108] {strides = array<i32>} : memref<32x512xi32, #tpu.memory_space<vmem>>, vector<16xi32>,
      %add3A_110 = arith.constant 8000 : i32
      %add3A_111 = vector.broadcast %add3A_110 : i32 to vector<16xi32>
      %add3A_112 = arith.addi %get3A_109, %add3A_111 : vector<16xi32>
      %gather3A_113 = tpu.vector_load_idx %arg5[%add3A_112] : memref<26000xf32, #tpu.memory_space<vmem>>[vector<16xi32>], vector<16xf32>,
      %add3A_114 = arith.addf %add3A_103, %gather3A_113 : vector<16xf32>
      %mul3A_115 = arith.constant 16 : i32
      %mul3A_116 = arith.muli %scan3A_15, %mul3A_115 : i32
      %get3A_117 = arith.constant 9 : i32
      %get3A_118 = arith.index_cast %get3A_117 : i32 to index
      %get3A_119 = arith.index_cast %mul3A_116 : i32 to index
      %get3A_120 = tpu.vector_load %arg6[%get3A_118, %get3A_119] {strides = array<i32>} : memref<32x512xi32, #tpu.memory_space<vmem>>, vector<16xi32>,
      %add3A_121 = arith.constant 9000 : i32
      %add3A_122 = vector.broadcast %add3A_121 : i32 to vector<16xi32>
      %add3A_123 = arith.addi %get3A_120, %add3A_122 : vector<16xi32>
      %gather3A_124 = tpu.vector_load_idx %arg5[%add3A_123] : memref<26000xf32, #tpu.memory_space<vmem>>[vector<16xi32>], vector<16xf32>,
      %add3A_125 = arith.addf %add3A_114, %gather3A_124 : vector<16xf32>
      %mul3A_126 = arith.constant 16 : i32
      %mul3A_127 = arith.muli %scan3A_15, %mul3A_126 : i32
      %get3A_128 = arith.constant 10 : i32
      %get3A_129 = arith.index_cast %get3A_128 : i32 to index
      %get3A_130 = arith.index_cast %mul3A_127 : i32 to index
      %get3A_131 = tpu.vector_load %arg6[%get3A_129, %get3A_130] {strides = array<i32>} : memref<32x512xi32, #tpu.memory_space<vmem>>, vector<16xi32>,
      %add3A_132 = arith.constant 10000 : i32
      %add3A_133 = vector.broadcast %add3A_132 : i32 to vector<16xi32>
      %add3A_134 = arith.addi %get3A_131, %add3A_133 : vector<16xi32>
      %gather3A_135 = tpu.vector_load_idx %arg5[%add3A_134] : memref<26000xf32, #tpu.memory_space<vmem>>[vector<16xi32>], vector<16xf32>,
      %add3A_136 = arith.addf %add3A_125, %gather3A_135 : vector<16xf32>
      %mul3A_137 = arith.constant 16 : i32
      %mul3A_138 = arith.muli %scan3A_15, %mul3A_137 : i32
      %get3A_139 = arith.constant 11 : i32
      %get3A_140 = arith.index_cast %get3A_139 : i32 to index
      %get3A_141 = arith.index_cast %mul3A_138 : i32 to index
      %get3A_142 = tpu.vector_load %arg6[%get3A_140, %get3A_141] {strides = array<i32>} : memref<32x512xi32, #tpu.memory_space<vmem>>, vector<16xi32>,
      %add3A_143 = arith.constant 11000 : i32
      %add3A_144 = vector.broadcast %add3A_143 : i32 to vector<16xi32>
      %add3A_145 = arith.addi %get3A_142, %add3A_144 : vector<16xi32>
      %gather3A_146 = tpu.vector_load_idx %arg5[%add3A_145] : memref<26000xf32, #tpu.memory_space<vmem>>[vector<16xi32>], vector<16xf32>,
      %add3A_147 = arith.addf %add3A_136, %gather3A_146 : vector<16xf32>
      %mul3A_148 = arith.constant 16 : i32
      %mul3A_149 = arith.muli %scan3A_15, %mul3A_148 : i32
      %get3A_150 = arith.constant 12 : i32
      %get3A_151 = arith.index_cast %get3A_150 : i32 to index
      %get3A_152 = arith.index_cast %mul3A_149 : i32 to index
      %get3A_153 = tpu.vector_load %arg6[%get3A_151, %get3A_152] {strides = array<i32>} : memref<32x512xi32, #tpu.memory_space<vmem>>, vector<16xi32>,
      %add3A_154 = arith.constant 12000 : i32
      %add3A_155 = vector.broadcast %add3A_154 : i32 to vector<16xi32>
      %add3A_156 = arith.addi %get3A_153, %add3A_155 : vector<16xi32>
      %gather3A_157 = tpu.vector_load_idx %arg5[%add3A_156] : memref<26000xf32, #tpu.memory_space<vmem>>[vector<16xi32>], vector<16xf32>,
      %add3A_158 = arith.addf %add3A_147, %gather3A_157 : vector<16xf32>
      %mul3A_159 = arith.constant 16 : i32
      %mul3A_160 = arith.muli %scan3A_15, %mul3A_159 : i32
      %get3A_161 = arith.constant 13 : i32
      %get3A_162 = arith.index_cast %get3A_161 : i32 to index
      %get3A_163 = arith.index_cast %mul3A_160 : i32 to index
      %get3A_164 = tpu.vector_load %arg6[%get3A_162, %get3A_163] {strides = array<i32>} : memref<32x512xi32, #tpu.memory_space<vmem>>, vector<16xi32>,
      %add3A_165 = arith.constant 13000 : i32
      %add3A_166 = vector.broadcast %add3A_165 : i32 to vector<16xi32>
      %add3A_167 = arith.addi %get3A_164, %add3A_166 : vector<16xi32>
      %gather3A_168 = tpu.vector_load_idx %arg5[%add3A_167] : memref<26000xf32, #tpu.memory_space<vmem>>[vector<16xi32>], vector<16xf32>,
      %add3A_169 = arith.addf %add3A_158, %gather3A_168 : vector<16xf32>
      %mul3A_170 = arith.constant 16 : i32
      %mul3A_171 = arith.muli %scan3A_15, %mul3A_170 : i32
      %get3A_172 = arith.constant 14 : i32
      %get3A_173 = arith.index_cast %get3A_172 : i32 to index
      %get3A_174 = arith.index_cast %mul3A_171 : i32 to index
      %get3A_175 = tpu.vector_load %arg6[%get3A_173, %get3A_174] {strides = array<i32>} : memref<32x512xi32, #tpu.memory_space<vmem>>, vector<16xi32>,
      %add3A_176 = arith.constant 14000 : i32
      %add3A_177 = vector.broadcast %add3A_176 : i32 to vector<16xi32>
      %add3A_178 = arith.addi %get3A_175, %add3A_177 : vector<16xi32>
      %gather3A_179 = tpu.vector_load_idx %arg5[%add3A_178] : memref<26000xf32, #tpu.memory_space<vmem>>[vector<16xi32>], vector<16xf32>,
      %add3A_180 = arith.addf %add3A_169, %gather3A_179 : vector<16xf32>
      %mul3A_181 = arith.constant 16 : i32
      %mul3A_182 = arith.muli %scan3A_15, %mul3A_181 : i32
      %get3A_183 = arith.constant 15 : i32
      %get3A_184 = arith.index_cast %get3A_183 : i32 to index
      %get3A_185 = arith.index_cast %mul3A_182 : i32 to index
      %get3A_186 = tpu.vector_load %arg6[%get3A_184, %get3A_185] {strides = array<i32>} : memref<32x512xi32, #tpu.memory_space<vmem>>, vector<16xi32>,
      %add3A_187 = arith.constant 15000 : i32
      %add3A_188 = vector.broadcast %add3A_187 : i32 to vector<16xi32>
      %add3A_189 = arith.addi %get3A_186, %add3A_188 : vector<16xi32>
      %gather3A_190 = tpu.vector_load_idx %arg5[%add3A_189] : memref<26000xf32, #tpu.memory_space<vmem>>[vector<16xi32>], vector<16xf32>,
      %add3A_191 = arith.addf %add3A_180, %gather3A_190 : vector<16xf32>
      %mul3A_192 = arith.constant 16 : i32
      %mul3A_193 = arith.muli %scan3A_15, %mul3A_192 : i32
      %get3A_194 = arith.constant 16 : i32
      %get3A_195 = arith.index_cast %get3A_194 : i32 to index
      %get3A_196 = arith.index_cast %mul3A_193 : i32 to index
      %get3A_197 = tpu.vector_load %arg6[%get3A_195, %get3A_196] {strides = array<i32>} : memref<32x512xi32, #tpu.memory_space<vmem>>, vector<16xi32>,
      %add3A_198 = arith.constant 16000 : i32
      %add3A_199 = vector.broadcast %add3A_198 : i32 to vector<16xi32>
      %add3A_200 = arith.addi %get3A_197, %add3A_199 : vector<16xi32>
      %gather3A_201 = tpu.vector_load_idx %arg5[%add3A_200] : memref<26000xf32, #tpu.memory_space<vmem>>[vector<16xi32>], vector<16xf32>,
      %add3A_202 = arith.addf %add3A_191, %gather3A_201 : vector<16xf32>
      %mul3A_203 = arith.constant 16 : i32
      %mul3A_204 = arith.muli %scan3A_15, %mul3A_203 : i32
      %get3A_205 = arith.constant 17 : i32
      %get3A_206 = arith.index_cast %get3A_205 : i32 to index
      %get3A_207 = arith.index_cast %mul3A_204 : i32 to index
      %get3A_208 = tpu.vector_load %arg6[%get3A_206, %get3A_207] {strides = array<i32>} : memref<32x512xi32, #tpu.memory_space<vmem>>, vector<16xi32>,
      %add3A_209 = arith.constant 17000 : i32
      %add3A_210 = vector.broadcast %add3A_209 : i32 to vector<16xi32>
      %add3A_211 = arith.addi %get3A_208, %add3A_210 : vector<16xi32>
      %gather3A_212 = tpu.vector_load_idx %arg5[%add3A_211] : memref<26000xf32, #tpu.memory_space<vmem>>[vector<16xi32>], vector<16xf32>,
      %add3A_213 = arith.addf %add3A_202, %gather3A_212 : vector<16xf32>
      %mul3A_214 = arith.constant 16 : i32
      %mul3A_215 = arith.muli %scan3A_15, %mul3A_214 : i32
      %get3A_216 = arith.constant 18 : i32
      %get3A_217 = arith.index_cast %get3A_216 : i32 to index
      %get3A_218 = arith.index_cast %mul3A_215 : i32 to index
      %get3A_219 = tpu.vector_load %arg6[%get3A_217, %get3A_218] {strides = array<i32>} : memref<32x512xi32, #tpu.memory_space<vmem>>, vector<16xi32>,
      %add3A_220 = arith.constant 18000 : i32
      %add3A_221 = vector.broadcast %add3A_220 : i32 to vector<16xi32>
      %add3A_222 = arith.addi %get3A_219, %add3A_221 : vector<16xi32>
      %gather3A_223 = tpu.vector_load_idx %arg5[%add3A_222] : memref<26000xf32, #tpu.memory_space<vmem>>[vector<16xi32>], vector<16xf32>,
      %add3A_224 = arith.addf %add3A_213, %gather3A_223 : vector<16xf32>
      %mul3A_225 = arith.constant 16 : i32
      %mul3A_226 = arith.muli %scan3A_15, %mul3A_225 : i32
      %get3A_227 = arith.constant 19 : i32
      %get3A_228 = arith.index_cast %get3A_227 : i32 to index
      %get3A_229 = arith.index_cast %mul3A_226 : i32 to index
      %get3A_230 = tpu.vector_load %arg6[%get3A_228, %get3A_229] {strides = array<i32>} : memref<32x512xi32, #tpu.memory_space<vmem>>, vector<16xi32>,
      %add3A_231 = arith.constant 19000 : i32
      %add3A_232 = vector.broadcast %add3A_231 : i32 to vector<16xi32>
      %add3A_233 = arith.addi %get3A_230, %add3A_232 : vector<16xi32>
      %gather3A_234 = tpu.vector_load_idx %arg5[%add3A_233] : memref<26000xf32, #tpu.memory_space<vmem>>[vector<16xi32>], vector<16xf32>,
      %add3A_235 = arith.addf %add3A_224, %gather3A_234 : vector<16xf32>
      %mul3A_236 = arith.constant 16 : i32
      %mul3A_237 = arith.muli %scan3A_15, %mul3A_236 : i32
      %get3A_238 = arith.constant 20 : i32
      %get3A_239 = arith.index_cast %get3A_238 : i32 to index
      %get3A_240 = arith.index_cast %mul3A_237 : i32 to index
      %get3A_241 = tpu.vector_load %arg6[%get3A_239, %get3A_240] {strides = array<i32>} : memref<32x512xi32, #tpu.memory_space<vmem>>, vector<16xi32>,
      %add3A_242 = arith.constant 20000 : i32
      %add3A_243 = vector.broadcast %add3A_242 : i32 to vector<16xi32>
      %add3A_244 = arith.addi %get3A_241, %add3A_243 : vector<16xi32>
      %gather3A_245 = tpu.vector_load_idx %arg5[%add3A_244] : memref<26000xf32, #tpu.memory_space<vmem>>[vector<16xi32>], vector<16xf32>,
      %add3A_246 = arith.addf %add3A_235, %gather3A_245 : vector<16xf32>
      %mul3A_247 = arith.constant 16 : i32
      %mul3A_248 = arith.muli %scan3A_15, %mul3A_247 : i32
      %get3A_249 = arith.constant 21 : i32
      %get3A_250 = arith.index_cast %get3A_249 : i32 to index
      %get3A_251 = arith.index_cast %mul3A_248 : i32 to index
      %get3A_252 = tpu.vector_load %arg6[%get3A_250, %get3A_251] {strides = array<i32>} : memref<32x512xi32, #tpu.memory_space<vmem>>, vector<16xi32>,
      %add3A_253 = arith.constant 21000 : i32
      %add3A_254 = vector.broadcast %add3A_253 : i32 to vector<16xi32>
      %add3A_255 = arith.addi %get3A_252, %add3A_254 : vector<16xi32>
      %gather3A_256 = tpu.vector_load_idx %arg5[%add3A_255] : memref<26000xf32, #tpu.memory_space<vmem>>[vector<16xi32>], vector<16xf32>,
      %add3A_257 = arith.addf %add3A_246, %gather3A_256 : vector<16xf32>
      %mul3A_258 = arith.constant 16 : i32
      %mul3A_259 = arith.muli %scan3A_15, %mul3A_258 : i32
      %get3A_260 = arith.constant 22 : i32
      %get3A_261 = arith.index_cast %get3A_260 : i32 to index
      %get3A_262 = arith.index_cast %mul3A_259 : i32 to index
      %get3A_263 = tpu.vector_load %arg6[%get3A_261, %get3A_262] {strides = array<i32>} : memref<32x512xi32, #tpu.memory_space<vmem>>, vector<16xi32>,
      %add3A_264 = arith.constant 22000 : i32
      %add3A_265 = vector.broadcast %add3A_264 : i32 to vector<16xi32>
      %add3A_266 = arith.addi %get3A_263, %add3A_265 : vector<16xi32>
      %gather3A_267 = tpu.vector_load_idx %arg5[%add3A_266] : memref<26000xf32, #tpu.memory_space<vmem>>[vector<16xi32>], vector<16xf32>,
      %add3A_268 = arith.addf %add3A_257, %gather3A_267 : vector<16xf32>
      %mul3A_269 = arith.constant 16 : i32
      %mul3A_270 = arith.muli %scan3A_15, %mul3A_269 : i32
      %get3A_271 = arith.constant 23 : i32
      %get3A_272 = arith.index_cast %get3A_271 : i32 to index
      %get3A_273 = arith.index_cast %mul3A_270 : i32 to index
      %get3A_274 = tpu.vector_load %arg6[%get3A_272, %get3A_273] {strides = array<i32>} : memref<32x512xi32, #tpu.memory_space<vmem>>, vector<16xi32>,
      %add3A_275 = arith.constant 23000 : i32
      %add3A_276 = vector.broadcast %add3A_275 : i32 to vector<16xi32>
      %add3A_277 = arith.addi %get3A_274, %add3A_276 : vector<16xi32>
      %gather3A_278 = tpu.vector_load_idx %arg5[%add3A_277] : memref<26000xf32, #tpu.memory_space<vmem>>[vector<16xi32>], vector<16xf32>,
      %add3A_279 = arith.addf %add3A_268, %gather3A_278 : vector<16xf32>
      %mul3A_280 = arith.constant 16 : i32
      %mul3A_281 = arith.muli %scan3A_15, %mul3A_280 : i32
      %get3A_282 = arith.constant 24 : i32
      %get3A_283 = arith.index_cast %get3A_282 : i32 to index
      %get3A_284 = arith.index_cast %mul3A_281 : i32 to index
      %get3A_285 = tpu.vector_load %arg6[%get3A_283, %get3A_284] {strides = array<i32>} : memref<32x512xi32, #tpu.memory_space<vmem>>, vector<16xi32>,
      %add3A_286 = arith.constant 24000 : i32
      %add3A_287 = vector.broadcast %add3A_286 : i32 to vector<16xi32>
      %add3A_288 = arith.addi %get3A_285, %add3A_287 : vector<16xi32>
      %gather3A_289 = tpu.vector_load_idx %arg5[%add3A_288] : memref<26000xf32, #tpu.memory_space<vmem>>[vector<16xi32>], vector<16xf32>,
      %add3A_290 = arith.addf %add3A_279, %gather3A_289 : vector<16xf32>
      %mul3A_291 = arith.constant 16 : i32
      %mul3A_292 = arith.muli %scan3A_15, %mul3A_291 : i32
      %get3A_293 = arith.constant 25 : i32
      %get3A_294 = arith.index_cast %get3A_293 : i32 to index
      %get3A_295 = arith.index_cast %mul3A_292 : i32 to index
      %get3A_296 = tpu.vector_load %arg6[%get3A_294, %get3A_295] {strides = array<i32>} : memref<32x512xi32, #tpu.memory_space<vmem>>, vector<16xi32>,
      %add3A_297 = arith.constant 25000 : i32
      %add3A_298 = vector.broadcast %add3A_297 : i32 to vector<16xi32>
      %add3A_299 = arith.addi %get3A_296, %add3A_298 : vector<16xi32>
      %gather3A_300 = tpu.vector_load_idx %arg5[%add3A_299] : memref<26000xf32, #tpu.memory_space<vmem>>[vector<16xi32>], vector<16xf32>,
      %add3A_301 = arith.addf %add3A_290, %gather3A_300 : vector<16xf32>
      %mul3A_302 = arith.constant 16 : i32
      %mul3A_303 = arith.muli %scan3A_15, %mul3A_302 : i32
      %swap3A = arith.index_cast %mul3A_303 : i32 to index
      %swap3A_304 = tpu.vector_load %arg7[%swap3A] {strides = array<i32>} : memref<512xf32, #tpu.memory_space<vmem>>, vector<16xf32>,
      tpu.vector_store %arg7[%swap3A], %add3A_301 {strides = array<i32>} : memref<512xf32, #tpu.memory_space<vmem>>, vector<16xf32>,
      %scan3A_305 = arith.constant 0 : i32
      scf.yield %scan3A_305 : i32
    }
    %scan3A_14 = arith.constant 32 : i32
    "tpu.region"() ({
      %run_scoped3A = tpu.sem_alloc : memref<!tpu.dma_semaphore, #tpu.memory_space<semaphore_mem>>
      %dma_start3A_15 = tpu.memref_slice %arg4[%mul3A_2] : memref<16384xf32, #tpu.memory_space<hbm>> -> memref<512xf32, #tpu.memory_space<hbm>>
      %dma_start3A_16 = tpu.memref_slice %arg4[%mul3A_2] : memref<16384xf32, #tpu.memory_space<hbm>> -> memref<512xf32, #tpu.memory_space<hbm>>
      tpu.enqueue_dma source(%arg7 : memref<512xf32, #tpu.memory_space<vmem>>) target(%dma_start3A_16 : memref<512xf32, #tpu.memory_space<hbm>>) target_semaphore(%run_scoped3A : memref<!tpu.dma_semaphore, #tpu.memory_space<semaphore_mem>>)
      %dma_wait3A_17 = tpu.memref_slice %arg4[%mul3A_2] : memref<16384xf32, #tpu.memory_space<hbm>> -> memref<512xf32, #tpu.memory_space<hbm>>
      %dma_wait3A_18 = tpu.memref_slice %arg4[%mul3A_2] : memref<16384xf32, #tpu.memory_space<hbm>> -> memref<512xf32, #tpu.memory_space<hbm>>
      tpu.wait_dma2 semaphore(%run_scoped3A : memref<!tpu.dma_semaphore, #tpu.memory_space<semaphore_mem>>) src(%arg7 : memref<512xf32, #tpu.memory_space<vmem>>) dst(%dma_wait3A_18 : memref<512xf32, #tpu.memory_space<hbm>>)
      tpu.yield
    }) : () -> ()
    return
  }
}

module attributes {stable_mosaic.version = 14 : i64} {
  func.func @body(%arg0: i32, %arg1: memref<13x1000x128xf32, #tpu.memory_space<vmem>>, %arg2: memref<13x1x128xf32, #tpu.memory_space<vmem>>, %arg3: memref<13x1x1000xf32, #tpu.memory_space<vmem>>) attributes {dimension_semantics = [#tpu.dimension_semantics<arbitrary>], iteration_bounds = array<i64: 2>, scalar_prefetch = 0 : i64, scratch_operands = 0 : i64, tpu.core_type = #tpu.core_type<tc>, window_params = [{transform_indices = @transform_0, window_bounds = array<i64: 13, 1000, 128>}, {transform_indices = @transform_1, window_bounds = array<i64: 13, 1, 128>}, {transform_indices = @transform_2, window_bounds = array<i64: 13, 1, 1000>}]} {
    %get3A = arith.constant 0 : index
    %get3A_0 = arith.constant 0 : index
    %get3A_1 = arith.constant 0 : index
    %get3A_2 = vector.load %arg1[%get3A, %get3A_0, %get3A_1] : memref<13x1000x128xf32, #tpu.memory_space<vmem>>, vector<13x1000x128xf32>
    %get3A_3 = arith.constant 0 : index
    %get3A_4 = arith.constant 0 : index
    %get3A_5 = arith.constant 0 : index
    %get3A_6 = vector.load %arg2[%get3A_3, %get3A_4, %get3A_5] : memref<13x1x128xf32, #tpu.memory_space<vmem>>, vector<13x1x128xf32>
    %dot_general3A = arith.constant dense<0.000000e+00> : vector<13x1x1000xf32>
    %dot_general3A_7 = tpu.matmul %get3A_6, %get3A_2, %dot_general3A {dimension_numbers = #tpu.dot_dimension_numbers<[2], [2], [1], [1], [0, 0, 0, 1, 1, 1], [0], [0]>, transpose_lhs_hint = false} : vector<13x1x128xf32>, vector<13x1000x128xf32>, vector<13x1x1000xf32> -> vector<13x1x1000xf32>
    %swap3A = arith.constant 0 : index
    %swap3A_8 = arith.constant 0 : index
    %swap3A_9 = arith.constant 0 : index
    %swap3A_10 = vector.load %arg3[%swap3A, %swap3A_8, %swap3A_9] : memref<13x1x1000xf32, #tpu.memory_space<vmem>>, vector<13x1x1000xf32>
    tpu.vector_store %arg3[%swap3A, %swap3A_8, %swap3A_9], %dot_general3A_7 {strides = array<i32>} : memref<13x1x1000xf32, #tpu.memory_space<vmem>>, vector<13x1x1000xf32>,
    return
  }
  func.func @transform_0(%arg0: i32) -> (i32, i32, i32) {
    %c0_i32 = arith.constant 0 : i32
    %c0_i32_0 = arith.constant 0 : i32
    %c0_i32_1 = arith.constant 0 : i32
    return %arg0, %c0_i32, %c0_i32_0 : i32, i32, i32
  }
  func.func @transform_1(%arg0: i32) -> (i32, i32, i32) {
    %c0_i32 = arith.constant 0 : i32
    %c0_i32_0 = arith.constant 0 : i32
    %c0_i32_1 = arith.constant 0 : i32
    return %arg0, %c0_i32, %c0_i32_0 : i32, i32, i32
  }
  func.func @transform_2(%arg0: i32) -> (i32, i32, i32) {
    %c0_i32 = arith.constant 0 : i32
    %c0_i32_0 = arith.constant 0 : i32
    %c0_i32_1 = arith.constant 0 : i32
    return %arg0, %c0_i32, %c0_i32_0 : i32, i32, i32
  }
}

module attributes {stable_mosaic.version = 14 : i64} {
  func.func @body(%arg0: i32, %arg1: memref<20000x128xf32, #tpu.memory_space<vmem>>, %arg2: memref<1x128xf32, #tpu.memory_space<vmem>>, %arg3: memref<1x1x20000xf32, #tpu.memory_space<vmem>>) attributes {dimension_semantics = [#tpu.dimension_semantics<arbitrary>], iteration_bounds = array<i64: 5>, scalar_prefetch = 0 : i64, scratch_operands = 0 : i64, tpu.core_type = #tpu.core_type<tc>, window_params = [{transform_indices = @transform_0, window_bounds = array<i64: 20000, 128>}, {pipeline_mode = #tpu.pipeline_mode<synchronous>, transform_indices = @transform_1, window_bounds = array<i64: 1, 128>}, {transform_indices = @transform_2, window_bounds = array<i64: 1, 1, 20000>}]} {
    %get3A = arith.constant 0 : index
    %get3A_0 = arith.constant 0 : index
    %get3A_1 = vector.load %arg1[%get3A, %get3A_0] : memref<20000x128xf32, #tpu.memory_space<vmem>>, vector<20000x128xf32>
    %get3A_2 = arith.constant 0 : index
    %get3A_3 = arith.constant 0 : index
    %get3A_4 = vector.load %arg2[%get3A_2, %get3A_3] : memref<1x128xf32, #tpu.memory_space<vmem>>, vector<1x128xf32>
    %dot_general3A = arith.constant dense<0.000000e+00> : vector<1x20000xf32>
    %dot_general3A_5 = tpu.matmul %get3A_4, %get3A_1, %dot_general3A {dimension_numbers = #tpu.dot_dimension_numbers<[1], [1], [0], [0], [0, 0, 1, 0], [], []>, transpose_lhs_hint = false} : vector<1x128xf32>, vector<20000x128xf32>, vector<1x20000xf32> -> vector<1x20000xf32>
    %squeeze3A = vector.shape_cast %dot_general3A_5 : vector<1x20000xf32> to vector<20000xf32>
    %mul3A = arith.constant 2.000000e-02 : f32
    %mul3A_6 = vector.broadcast %mul3A : f32 to vector<20000xf32>
    %mul3A_7 = arith.mulf %squeeze3A, %mul3A_6 : vector<20000xf32>
    %swap3A = arith.constant 0 : index
    %swap3A_8 = arith.constant 0 : index
    %swap3A_9 = arith.constant 0 : index
    %swap3A_10 = vector.load %arg3[%swap3A, %swap3A_8, %swap3A_9] : memref<1x1x20000xf32, #tpu.memory_space<vmem>>, vector<1x1x20000xf32>
    %swap3A_11 = vector.shape_cast %swap3A_10 : vector<1x1x20000xf32> to vector<20000xf32>
    %swap3A_12 = vector.shape_cast %mul3A_7 : vector<20000xf32> to vector<1x1x20000xf32>
    tpu.vector_store %arg3[%swap3A, %swap3A_8, %swap3A_9], %swap3A_12 {strides = array<i32>} : memref<1x1x20000xf32, #tpu.memory_space<vmem>>, vector<1x1x20000xf32>,
    return
  }
  func.func @transform_0(%arg0: i32) -> (i32, i32) {
    %c0_i32 = arith.constant 0 : i32
    %c0_i32_0 = arith.constant 0 : i32
    return %arg0, %c0_i32 : i32, i32
  }
  func.func @transform_1(%arg0: i32) -> (i32, i32) {
    %c0_i32 = arith.constant 0 : i32
    %c0_i32_0 = arith.constant 0 : i32
    %c0_i32_1 = arith.constant 0 : i32
    return %c0_i32, %c0_i32_0 : i32, i32
  }
  func.func @transform_2(%arg0: i32) -> (i32, i32, i32) {
    %c0_i32 = arith.constant 0 : i32
    %c0_i32_0 = arith.constant 0 : i32
    %c0_i32_1 = arith.constant 0 : i32
    return %arg0, %c0_i32, %c0_i32_0 : i32, i32, i32
  }
}

module attributes {stable_mosaic.version = 14 : i64} {
  func.func @body(%arg0: i32, %arg1: memref<16x16384xf32, #tpu.memory_space<vmem>>, %arg2: memref<1x16xf32, #tpu.memory_space<vmem>>, %arg3: memref<1x1xf32, #tpu.memory_space<vmem>>, %arg4: memref<1x16384xf32, #tpu.memory_space<vmem>>) attributes {dimension_semantics = [#tpu.dimension_semantics<arbitrary>], iteration_bounds = array<i64: 1>, scalar_prefetch = 0 : i64, scratch_operands = 0 : i64, tpu.core_type = #tpu.core_type<tc>, window_params = [{pipeline_mode = #tpu.pipeline_mode<synchronous>, transform_indices = @transform_0, window_bounds = array<i64: 16, 16384>}, {pipeline_mode = #tpu.pipeline_mode<synchronous>, transform_indices = @transform_1, window_bounds = array<i64: 1, 16>}, {pipeline_mode = #tpu.pipeline_mode<synchronous>, transform_indices = @transform_2, window_bounds = array<i64: 1, 1>}, {pipeline_mode = #tpu.pipeline_mode<synchronous>, transform_indices = @transform_3, window_bounds = array<i64: 1, 16384>}]} {
    %get3A = arith.constant 0 : index
    %get3A_0 = arith.constant 0 : index
    %get3A_1 = vector.load %arg2[%get3A, %get3A_0] : memref<1x16xf32, #tpu.memory_space<vmem>>, vector<1x16xf32>
    %get3A_2 = arith.constant 0 : index
    %get3A_3 = arith.constant 0 : index
    %get3A_4 = vector.load %arg1[%get3A_2, %get3A_3] : memref<16x16384xf32, #tpu.memory_space<vmem>>, vector<16x16384xf32>
    %dot_general3A = arith.constant dense<0.000000e+00> : vector<1x16384xf32>
    %dot_general3A_5 = tpu.matmul %get3A_1, %get3A_4, %dot_general3A {dimension_numbers = #tpu.dot_dimension_numbers<[1], [0], [0], [1], [0, 0, 1, 1], [], []>, transpose_lhs_hint = false} : vector<1x16xf32>, vector<16x16384xf32>, vector<1x16384xf32> -> vector<1x16384xf32>
    %squeeze3A = vector.shape_cast %dot_general3A_5 : vector<1x16384xf32> to vector<16384xf32>
    %get3A_6 = arith.constant 0 : index
    %get3A_7 = arith.constant 0 : index
    %get3A_8 = vector.load %arg3[%get3A_6, %get3A_7] : memref<1x1xf32, #tpu.memory_space<vmem>>, vector<1x1xf32>
    %get3A_9 = vector.extract %get3A_8[0, 0] : f32 from vector<1x1xf32>
    %add3A = vector.broadcast %get3A_9 : f32 to vector<16384xf32>
    %add3A_10 = arith.addf %squeeze3A, %add3A : vector<16384xf32>
    %swap3A = arith.constant 0 : index
    %swap3A_11 = arith.constant 0 : index
    %swap3A_12 = vector.load %arg4[%swap3A, %swap3A_11] : memref<1x16384xf32, #tpu.memory_space<vmem>>, vector<1x16384xf32>
    %swap3A_13 = vector.shape_cast %swap3A_12 : vector<1x16384xf32> to vector<16384xf32>
    %swap3A_14 = vector.shape_cast %add3A_10 : vector<16384xf32> to vector<1x16384xf32>
    tpu.vector_store %arg4[%swap3A, %swap3A_11], %swap3A_14 {strides = array<i32>} : memref<1x16384xf32, #tpu.memory_space<vmem>>, vector<1x16384xf32>,
    return
  }
  func.func @transform_0(%arg0: i32) -> (i32, i32) {
    %c0_i32 = arith.constant 0 : i32
    %c0_i32_0 = arith.constant 0 : i32
    %c0_i32_1 = arith.constant 0 : i32
    return %c0_i32, %c0_i32_0 : i32, i32
  }
  func.func @transform_1(%arg0: i32) -> (i32, i32) {
    %c0_i32 = arith.constant 0 : i32
    %c0_i32_0 = arith.constant 0 : i32
    %c0_i32_1 = arith.constant 0 : i32
    return %c0_i32, %c0_i32_0 : i32, i32
  }
  func.func @transform_2(%arg0: i32) -> (i32, i32) {
    %c0_i32 = arith.constant 0 : i32
    %c0_i32_0 = arith.constant 0 : i32
    %c0_i32_1 = arith.constant 0 : i32
    return %c0_i32, %c0_i32_0 : i32, i32
  }
  func.func @transform_3(%arg0: i32) -> (i32, i32) {
    %c0_i32 = arith.constant 0 : i32
    %c0_i32_0 = arith.constant 0 : i32
    %c0_i32_1 = arith.constant 0 : i32
    return %c0_i32, %c0_i32_0 : i32, i32
  }
}

</mosaic_0001>

<sc_bundles>
// kernel: kernel.10.cloned.1.call-start
scs
__scs_entry_jumppad:
0x0: {  	(pc) =	sbr.rel $0x88, $3  }
0x1: {  	(tag) =	ssettag $0x0;
	lr =	simm.s32 $0x1  }
0x2: {  	[smem:$0x3F9A] =	sst lr;
	_ =	strace $0xD0000000  }
0x3: {  	_ = 	snop  }
0x4: {  	_ = 	snop  }
0x5: {  	_ = 	snop  }
0x6: {  	_ = 	snop  }
0x7: {  	_ = 	snop  }
__scs_overlays_trampoline_lowered:
0x8: {  	[smem:$0x3FA9] =	sst s0  }
0x9: {  	[smem:$0x3FAA] =	sst s1  }
0xa: {  	[smem:$0x3FAB] =	sst s2  }
0xb: {  	[smem:$0x3FAC] =	sst s3  }
0xc: {  	[smem:$0x3FAD] =	sst s4  }
0xd: {  	[smem:$0x3FAE] =	sst s5  }
0xe: {  	[smem:$0x3FAF] =	sst s6  }
0xf: {  	[smem:$0x3FB0] =	sst s7  }
0x10: {  	[smem:$0x3FB1] =	sst s8  }
0x11: {  	[smem:$0x3FB2] =	sst s9;
	s0 =	simm.s32 @!p0 $0x0  }
0x12: {  	s1 =	sld [smem:$0x3F98];
	s0 =	simm.s32 @p0 $0x1  }
0x13: {  	[smem:$0x3FB3] =	sst s0;
	s0 =	simm.s32 @!p1 $0x0  }
0x14: {  	s2 =	sld [smem:$0x3F97];
	s0 =	simm.s32 @p1 $0x1  }
0x15: {  	[smem:$0x3FB4] =	sst s0;
	s0 =	simm.s32 @!p2 $0x0  }
0x16: {  	s3 =	sld [smem:$0x3FDB];
	s0 =	simm.s32 @p2 $0x1  }
0x17: {  	s4 =	simm.s32 $0x1BF5;
	[smem:$0x3FB6] =	sst s0  }
0x18: {  	s0 =	sld [smem:$0x3F99];
	_ =	swait.ge [sflag:s4], $0x0  }
0x19: {  	s7 =	sld [smem:$0x3F9A]  }
0x1a: {  	s8 =	sadd.s32 $0xFFFFE003, lr  }
0x1b: {  	s9 =	sadd.s32 $0xFFFFFEF7, lr;
	s5 =	simm.s32 $0xFFFFFFFF;
	p2 =	slt.u32 s8, $0xFFFFF086  }
0x1c: {  	p1 =	slt.u32 s9, $0xF7A;
	s5 =	simm.s32 @!p2 $0x0  }
0x1d: {  	s5 =	simm.s32 @p1 $0x1;
	p0 =	seq.s32 s7, s2  }
0x1e: {  	s7 =	smul.u32 @!p0 $0xF7A, s2;
	p2 =	seq.s32 @!p0 s5, $0x0  }
0x1f: {  	s9 =	smul.u32 $0xF7A, s1;
	s8 =	simm.s32 @!p0 $0x1BF5;
	p2 =	por !p2, p0  }
0x20: {  	[sflag:s8] =	ssyncset.s32 @!p0 $0xFFFFF086;
	s6 =	sadd.s32 @!p0 s3, s7;
	s7 =	simm.s32 @!p0 $0x108  }
0x21: {  	s3 =	sadd.s32 s3, s9;
	s6 =	sadd.s32 @!p0 $0x88, s6;
	s7 =	simm.s32 @p2 $0x1082  }
0x22: {  	[simem:s7], [sflag:s8] =	dma.local @!p0 [hbm:s6], $0xF7A  }
0x23: {  	s9 =	sor.u32 $0xD0000000, s2;
	s6 =	simm.s32 $0x108;
	_ =	swait.ge @!p0 [sflag:s8], $0x0  }
0x24: {  	s3 =	sadd.s32 $0x88, s3;
	s6 =	simm.s32 @!p1 $0x1082;
	[sflag:s4] =	ssyncset.s32 $0xFFFFF086  }
0x25: {  	[simem:s6], [sflag:s4] =	dma.local [hbm:s3], $0xF7A  }
0x26: {  	[smem:$0x3F9A] =	sst s1;
	(tag) =	ssettag s2;
	_ =	strace s9  }
0x27: {  	s1 =	sld [smem:$0x3FAA]  }
0x28: {  	s2 =	sld [smem:$0x3FAB]  }
0x29: {  	s4 =	sld [smem:$0x3FAD]  }
0x2a: {  	p0 =	seq.s32 s5, $0x0;
	s5 =	sld [smem:$0x3FAE]  }
0x2b: {  	s6 =	sld [smem:$0x3FAF]  }
0x2c: {  	s7 =	sld [smem:$0x3FB0]  }
0x2d: {  	s3 =	simm.s32 $0x108;
	s8 =	sld [smem:$0x3FB1]  }
0x2e: {  	s3 =	simm.s32 @!p0 $0x1082;
	s9 =	sld [smem:$0x3FB2]  }
0x2f: {  	lr =	sadd.s32 s0, s3;
	s0 =	sld [smem:$0x3FA9]  }
0x30: {  	s3 =	sld [smem:$0x3FAC]  }
0x31: {  	[smem:$0x3FB5] =	sst s10  }
0x32: {  	s10 =	sld [smem:$0x3FB3];
	_ =	sdelay $0x3  }
0x33: {  	p0 =	seq.s32 s10, $0x1;
	s10 =	sld [smem:$0x3FB5];
	_ =	sdelay $0x3  }
0x34: {  	[smem:$0x3FB5] =	sst s10  }
0x35: {  	s10 =	sld [smem:$0x3FB4];
	_ =	sdelay $0x3  }
0x36: {  	p1 =	seq.s32 s10, $0x1;
	s10 =	sld [smem:$0x3FB5];
	_ =	sdelay $0x3  }
0x37: {  	[smem:$0x3FB5] =	sst s10  }
0x38: {  	s10 =	sld [smem:$0x3FB6]  }
0x39: {  	_ = 	snop;
	(pc) =	sbr.ind lr, $3  }
0x3a: {  	_ = 	snop  }
0x3b: {  	_ = 	snop  }
0x3c: {  	p2 =	seq.s32 s10, $0x1;
	s10 =	sld [smem:$0x3FB5]  }
0x3d: {  	_ =	shalt  }
0x3e: {  	_ =	shalt  }
0x3f: {  	_ =	shalt  }
0x40: {  	_ =	shalt  }
0x41: {  	_ =	shalt  }
0x42: {  	_ =	shalt  }
0x43: {  	_ =	shalt  }
0x44: {  	_ =	shalt  }
0x45: {  	_ =	shalt  }
0x46: {  	_ =	shalt  }
0x47: {  	_ =	shalt  }
0x48: {  	_ =	shalt  }
0x49: {  	_ =	shalt  }
0x4a: {  	_ =	shalt  }
0x4b: {  	_ =	shalt  }
0x4c: {  	_ =	shalt  }
0x4d: {  	_ =	shalt  }
0x4e: {  	_ =	shalt  }
0x4f: {  	_ =	shalt  }
0x50: {  	_ =	shalt  }
0x51: {  	_ =	shalt  }
0x52: {  	_ =	shalt  }
0x53: {  	_ =	shalt  }
0x54: {  	_ =	shalt  }
0x55: {  	_ =	shalt  }
0x56: {  	_ =	shalt  }
0x57: {  	_ =	shalt  }
0x58: {  	_ =	shalt  }
0x59: {  	_ =	shalt  }
0x5a: {  	_ =	shalt  }
0x5b: {  	_ =	shalt  }
0x5c: {  	_ =	shalt  }
0x5d: {  	_ =	shalt  }
0x5e: {  	_ =	shalt  }
0x5f: {  	_ =	shalt  }
0x60: {  	_ =	shalt  }
0x61: {  	_ =	shalt  }
0x62: {  	_ =	shalt  }
0x63: {  	_ =	shalt  }
0x64: {  	_ =	shalt  }
0x65: {  	_ =	shalt  }
0x66: {  	_ =	shalt  }
0x67: {  	_ =	shalt  }
0x68: {  	_ =	shalt  }
0x69: {  	_ =	shalt  }
0x6a: {  	_ =	shalt  }
0x6b: {  	_ =	shalt  }
0x6c: {  	_ =	shalt  }
0x6d: {  	_ =	shalt  }
0x6e: {  	_ =	shalt  }
0x6f: {  	_ =	shalt  }
0x70: {  	_ =	shalt  }
0x71: {  	_ =	shalt  }
0x72: {  	_ =	shalt  }
0x73: {  	_ =	shalt  }
0x74: {  	_ =	shalt  }
0x75: {  	_ =	shalt  }
0x76: {  	_ =	shalt  }
0x77: {  	_ =	shalt  }
0x78: {  	_ =	shalt  }
0x79: {  	_ =	shalt  }
0x7a: {  	_ =	shalt  }
0x7b: {  	_ =	shalt  }
0x7c: {  	_ =	shalt  }
0x7d: {  	_ =	shalt  }
0x7e: {  	_ =	shalt  }
0x7f: {  	_ =	shalt  }
0x80: {  	_ =	shalt  }
0x81: {  	_ =	shalt  }
0x82: {  	_ =	shalt  }
0x83: {  	_ =	shalt  }
0x84: {  	_ =	shalt  }
0x85: {  	_ =	shalt  }
0x86: {  	_ =	shalt  }
0x87: {  	_ =	shalt  }
.Lfunc_end0:
.L_simem_size_0:
called_computation.1_lowered:
.L_overlay_start_0:
0x88: {  	s2 =	sld [smem:$0x3FD9]  }
0x89: {  	s3 =	sld [smem:$0x3FFE];
	_ =	sdelay $0x1  }
0x8a: {  	s1 =	srdreg.scid  }
0x8b: {  	s0 =	sand.u32 $0x1, s1  }
0x8c: {  	s17 =	sshll.u32 s0, $0xA;
	s2 =	sadd.s32 s3, s2  }
0x8d: {  	s2 =	sadd.s32 s2, s17  }
0x8e: {  	[smem:$0x3FC1] =	sst s2  }
0x8f: {  	_ = 	snop  }
0x90: {  	s2 =	sld [smem:$0x3FD0];
	(tm) =	ssettm $0x1  }
0x91: {  	s18 =	sld [smem:$0x3FFB];
	_ =	sdelay $0x3  }
0x92: {  	_ =	strace s18  }
0x93: {  	s3 =	sld [smem:$0x3FFC];
	_ =	sdelay $0x3  }
0x94: {  	_ =	strace s3  }
0x95: {  	s3 =	sld [smem:$0x3FFD];
	_ =	sdelay $0x3  }
0x96: {  	_ =	strace s3  }
0x97: {  	_ =	strace $0x8FFFFFFF  }
0x98: {  	s19 =	sld [smem:$0x3FDB];
	_ =	sdelay $0x1  }
0x99: {  	s4 =	simm.s32 $_scs_section_size  }
0x9a: {  	s5 =	simm.s32 $_size__tile_overlayer_lowered;
	s6 =	simm.s32 $_tile_overlayer_lowered  }
0x9b: {  	s22 =	simm.s32 $0x1BFF;
	s21 =	sshll.u32 s6, $0x1;
	s3 =	sadd.s32 s4, s19  }
0x9c: {  	s7 =	simm.s32 $0x0;
	s20 =	sshll.u32 s5, $0x1;
	s5 =	sadd.s32 s21, s3  }
0x9d: {  	[timem:s7], [sflag:s22] =	dma.local [hbm:s5], s20  }
0x9e: {  	_ =	swait.ge [sflag:s22], s20  }
0x9f: {  	s4 =	ssub.s32 $0x0, s20;
	[sflag:s22] =	ssyncset.done $0x0  }
0xa0: {  	[sflag:s22] =	ssyncadd.s32 s4;
	_ =	sdelay $0x1  }
0xa1: {  	s23 =	simm.s32 $0x1B8B  }
0xa2: {  	_ =	swait.ge [sflag:s23], $0x1  }
0xa3: {  	[sflag:s23] =	ssyncset.done $0x0  }
0xa4: {  	s25 =	simm.s32 $0x1B8E;
	s24 =	sld [smem:$0x3FFE];
	[sflag:s23] =	ssyncadd.s32 $0xFFFFFFFF  }
0xa5: {  	s26 =	simm.s32 $execute0_lowered;
	[smem:$0x3FD2] =	sst s25  }
0xa6: {  	s5 =	sshll.u32 s26, $0x1;
	_ =	strace $0x80000049;
	[dreg:$0x1] =	wrdreg $0xFFFFFFFF  }
0xa7: {  	s28 =	simm.s32 $_size_execute0_lowered;
	s3 =	sadd.s32 s3, s5;
	[dreg:$0x0] =	wrdreg $0x0  }
0xa8: {  	s5 =	sshll.u32 s28, $0x1;
	[dreg:$0x2] =	wrdreg s3  }
0xa9: {  	[dreg:$0x3] =	wrdreg s5  }
0xaa: {  	[dreg:$0x4] =	wrdreg $0xC0  }
0xab: {  	_ =	task [dreg:s7], $0x5FFFF  }
0xac: {  	[dreg:$0x1] =	wrdreg $0xFFFFFFFF  }
0xad: {  	[dreg:$0x0] =	wrdreg $0x60  }
0xae: {  	[dreg:$0x2] =	wrdreg s24  }
0xaf: {  	[dreg:$0x3] =	wrdreg s2  }
0xb0: {  	[dreg:$0x4] =	wrdreg $0x9  }
0xb1: {  	_ =	task.clear_ibuf [dreg:s7], $0x5FFFF;
	_ =	strace $0x90000049  }
0xb2: {  	s29 =	simm.s32 $0x9;
	_ =	strace $0x8000004B  }
0xb3: {  	_ =	swait.ge [sflag:s29], $0x1  }
0xb4: {  	[sflag:s29] =	ssyncadd.s32 $0xFFFFFFFF  }
0xb5: {  	_ =	strace $0x9000004B  }
0xb6: {  	_ =	sfence  }
0xb7: {  	s30 =	sld [smem:$0x0];
	_ =	sdelay $0x2  }
0xb8: {  	s31 =	sshll.u32 s1, $0xD;
	s1 =	sshrl.u32 s1, $0x2  }
0xb9: {  	s3 =	sand.u32 $0x4000, s31;
	s1 =	sadd.s32 s1, s30  }
0xba: {  	s0 =	sor.u32 s3, s0;
	s1 =	sshll.u32 s1, $0x11  }
0xbb: {  	s0 =	sor.u32 s1, s0  }
0xbc: {  	s0 =	sadd.s32 $0x8F2B, s0  }
0xbd: {  	[sflag:s0] =	ssyncadd.remote.s32 $0x1  }
0xbe: {  	_ =	sfence.sel $0xFFFF  }
0xbf: {  	[dreg:$0x0] =	wrdreg $0xFFFFFFFF;
	(pc) =	sbr.abs _section_cstart, $3  }
0xc0: {  	[dreg:$0x1] =	wrdreg $0xFFFFFFFF  }
0xc1: {  	_ =	task.clear_ibuf [dreg:s7], $0x2FFFF;
	_ =	strace $0x9FFFFFFF  }
0xc2: {  	(tm) =	ssettm $0x7FFFFFFF  }
0xc3: {  	_ =	shalt  }
tec
execute0_lowered:
.L_overlay_start_1:
0x0: {  	(tag) =	ssettag $0x1  }
0x1: {  	s4 =	rddreg [dreg:$0x0]  }
0x2: {  	s7 =	rddreg [dreg:$0x1]  }
0x3: {  	s0 =	rddreg [dreg:$0x2]  }
0x4: {  	s3 =	srdreg.scid;
	s2 =	simm.s32 $0x0;
	s1 =	stileid.u32  }
0x5: {  	s11 =	simm.s32 $0x18700;
	s12 =	simm.s32 $0x4;
	s13 =	simm.s32 $0x3  }
0x6: {  	s14 =	simm.s32 $0x1;
	s15 =	simm.s32 $0x2;
	s16 =	simm.s32 $0x1F900  }
0x7: {  	s17 =	simm.s32 $0x0;
	s5 =	sand.u32 $0x1, s3;
	[smem:$0x7FF] =	sst s2  }
0x8: {  	s30 =	sshll.u32 s1, $0xA;
	s3 =	sadd.s32 $0x11E00, s4;
	s6 =	sshll.u32 s5, $0x9  }
0x9: {  	_ =	strace $0x8000004A;
	s5 =	ssub.s32 $0x2, s5;
	s6 =	sor.u32 s6, s30  }
0xa: {  	s31 =	sshrl.u32 s5, $0x1;
	s8 =	sshrl.u32 s6, $0x3;
	s6 =	sadd.s32 s6, s4  }
0xb: {  	s10 =	ssub.s32 s5, s31;
	s9 =	sadd.s32 s8, s4;
	s6 =	sadd.s32 $0x15000, s6  }
0xc: {  	s7 =	sadd.s32 s7, s8;
	s8 =	smax.u32 s10, $0x1;
	s10 =	simm.s32 $0x20000  }
0xd: {  	s4 =	sadd.s32 $0x31000, s9;
	s5 =	sadd.s32 $0x11600, s9;
	s9 =	simm.s32 $0x1000  }
.LBB2_1:
0xe: {  	[tilespmem:s16], [sflag:$0x1] =	stream.linear.gather [hbm4b:s4+s2], $0x200, $0x38;
	[tilespmem:$0x1FB00] =	vst v63  }
0xf: {  	s18 =	simm.s32 $0x1F700  }
0x10: {  	[tilespmem:s18], [sflag:$0x2] =	stream.linear.gather [hbm4b:s5+s2], $0x200, $0x38;
	[tilespmem:$0x1FB00] =	vst v63  }
0x11: {  	_ = 	snop  }
0x12: {  	[tilespmem:s11], [sflag:$0x3] =	stream.strided.gather [hbm4b:s6+s9], $0x7000, s10, s9, $0x38;
	[tilespmem:$0x1FB00] =	vst v63  }
0x13: {  	_ = 	snop  }
0x14: {  	[tilespmem:s2], [sflag:$0x4] =	stream.linear.gather [hbm4b:s3+s2], $0x18700, $0x38;
	[tilespmem:$0x1FB00] =	vst v63  }
0x15: {  	_ =	swait.ge [sflag:s12], $0x18700  }
0x16: {  	[sflag:s12] =	ssyncset.done $0x0  }
0x17: {  	[sflag:s12] =	ssyncadd.s32 $0xFFFE7900  }
0x18: {  	_ =	swait.ge [sflag:s13], $0x7000  }
0x19: {  	[sflag:s13] =	ssyncset.done $0x0  }
0x1a: {  	[sflag:s13] =	ssyncadd.s32 $0xFFFF9000  }
0x1b: {  	_ =	swait.ge [sflag:s14], $0x200  }
0x1c: {  	[sflag:s14] =	ssyncset.done $0x0  }
0x1d: {  	[sflag:s14] =	ssyncadd.s32 $0xFFFFFE00  }
0x1e: {  	_ =	swait.ge [sflag:s15], $0x200  }
0x1f: {  	s19 =	sand.u32 $0x70, s2;
	s20 =	sand.u32 $0xC00, s2;
	[sflag:s15] =	ssyncset.done $0x0  }
0x20: {  	s19 =	sor.u32 s19, s20;
	[sflag:s15] =	ssyncadd.s32 $0xFFFFFE00  }
0x21: {  	v0 =	vld [tilespmem:s19+$0x18700]  }
0x22: {  	s20 =	sadd.s32 $0x18700, s19  }
0x23: {  	v1 =	vld [tilespmem:s20+$0x80];
	_ =	sdelay $0x1  }
0x24: {  	v2 =	vld [tilespmem:s20+$0x100]  }
0x25: {  	v3 =	vld [tilespmem:s20+$0x180]  }
0x26: {  	v4 =	vld [tilespmem:s20+$0x200]  }
0x27: {  	v5 =	vld [tilespmem:s18+$0x0]  }
0x28: {  	v0 =	vld.idx.msk [tilespmem:v0+s2+$0x0], $0xffff  }
0x29: {  	v6 =	vld [tilespmem:s20+$0x280]  }
0x2a: {  	v1 =	vld.idx.msk [tilespmem:v1+s2+$0x0], $0xffff  }
0x2b: {  	s31 =	sor.u32 s2, s2;
	v7 =	vld [tilespmem:s20+$0x300]  }
0x2c: {  	s20 =	sor.u32 $0x380, s31;
	v2 =	vld.idx.msk [tilespmem:v2+s2+$0x0], $0xffff  }
0x2d: {  	v8 =	vld [tilespmem:s20+$0x18700];
	v0 =	vadd.f32 v0, v5  }
0x2e: {  	v3 =	vld.idx.msk [tilespmem:v3+s2+$0x0], $0xffff  }
0x2f: {  	v22 =	vld [tilespmem:s19+$0x19700];
	v0 =	vadd.f32 v1, v0  }
0x30: {  	v1 =	vld.idx.msk [tilespmem:v4+s2+$0x0], $0xffff  }
0x31: {  	v23 =	vld [tilespmem:s19+$0x19780];
	v0 =	vadd.f32 v2, v0  }
0x32: {  	v2 =	vld.idx.msk [tilespmem:v6+s2+$0x0], $0xffff  }
0x33: {  	v24 =	vld [tilespmem:s19+$0x19800];
	v0 =	vadd.f32 v3, v0  }
0x34: {  	v3 =	vld.idx.msk [tilespmem:v7+s2+$0x0], $0xffff  }
0x35: {  	v25 =	vld [tilespmem:s19+$0x19880];
	v0 =	vadd.f32 v1, v0  }
0x36: {  	v1 =	vld.idx.msk [tilespmem:v8+s2+$0x0], $0xffff  }
0x37: {  	v26 =	vld [tilespmem:s19+$0x19900];
	v0 =	vadd.f32 v2, v0  }
0x38: {  	v2 =	vld.idx.msk [tilespmem:v22+s2+$0x0], $0xffff  }
0x39: {  	v27 =	vld [tilespmem:s19+$0x19980];
	v0 =	vadd.f32 v3, v0  }
0x3a: {  	v3 =	vld.idx.msk [tilespmem:v23+s2+$0x0], $0xffff  }
0x3b: {  	v28 =	vld [tilespmem:s19+$0x19A00];
	v0 =	vadd.f32 v1, v0  }
0x3c: {  	v1 =	vld.idx.msk [tilespmem:v24+s2+$0x0], $0xffff  }
0x3d: {  	v29 =	vld [tilespmem:s19+$0x19A80];
	v0 =	vadd.f32 v2, v0  }
0x3e: {  	v2 =	vld.idx.msk [tilespmem:v25+s2+$0x0], $0xffff  }
0x3f: {  	v30 =	vld [tilespmem:s19+$0x1A700];
	v0 =	vadd.f32 v3, v0  }
0x40: {  	v3 =	vld.idx.msk [tilespmem:v26+s2+$0x0], $0xffff  }
0x41: {  	v31 =	vld [tilespmem:s19+$0x1A780];
	v0 =	vadd.f32 v1, v0  }
0x42: {  	v1 =	vld.idx.msk [tilespmem:v27+s2+$0x0], $0xffff  }
0x43: {  	v32 =	vld [tilespmem:s19+$0x1A800];
	v0 =	vadd.f32 v2, v0  }
0x44: {  	v2 =	vld.idx.msk [tilespmem:v28+s2+$0x0], $0xffff  }
0x45: {  	v33 =	vld [tilespmem:s19+$0x1A880];
	v0 =	vadd.f32 v3, v0  }
0x46: {  	v3 =	vld.idx.msk [tilespmem:v29+s2+$0x0], $0xffff  }
0x47: {  	v34 =	vld [tilespmem:s19+$0x1A900];
	v0 =	vadd.f32 v1, v0  }
0x48: {  	v1 =	vld.idx.msk [tilespmem:v30+s2+$0x0], $0xffff  }
0x49: {  	v35 =	vld [tilespmem:s19+$0x1A980];
	v0 =	vadd.f32 v2, v0  }
0x4a: {  	v2 =	vld.idx.msk [tilespmem:v31+s2+$0x0], $0xffff  }
0x4b: {  	v36 =	vld [tilespmem:s19+$0x1AA00];
	v0 =	vadd.f32 v3, v0  }
0x4c: {  	v3 =	vld.idx.msk [tilespmem:v32+s2+$0x0], $0xffff  }
0x4d: {  	v37 =	vld [tilespmem:s19+$0x1AA80];
	v0 =	vadd.f32 v1, v0  }
0x4e: {  	v1 =	vld.idx.msk [tilespmem:v33+s2+$0x0], $0xffff  }
0x4f: {  	v38 =	vld [tilespmem:s19+$0x1B700];
	v0 =	vadd.f32 v2, v0  }
0x50: {  	v2 =	vld.idx.msk [tilespmem:v34+s2+$0x0], $0xffff  }
0x51: {  	v39 =	vld [tilespmem:s19+$0x1B780];
	v0 =	vadd.f32 v3, v0  }
0x52: {  	v3 =	vld.idx.msk [tilespmem:v35+s2+$0x0], $0xffff  }
0x53: {  	v40 =	vld [tilespmem:s19+$0x1B800];
	v0 =	vadd.f32 v1, v0  }
0x54: {  	v1 =	vld.idx.msk [tilespmem:v36+s2+$0x0], $0xffff  }
0x55: {  	v41 =	vld [tilespmem:s19+$0x1B880];
	v0 =	vadd.f32 v2, v0  }
0x56: {  	v2 =	vld.idx.msk [tilespmem:v37+s2+$0x0], $0xffff  }
0x57: {  	v42 =	vld [tilespmem:s19+$0x1B900];
	v0 =	vadd.f32 v3, v0  }
0x58: {  	v3 =	vld.idx.msk [tilespmem:v38+s2+$0x0], $0xffff  }
0x59: {  	v43 =	vld [tilespmem:s19+$0x1B980];
	v0 =	vadd.f32 v1, v0  }
0x5a: {  	v1 =	vld.idx.msk [tilespmem:v39+s2+$0x0], $0xffff  }
0x5b: {  	v44 =	vld [tilespmem:s19+$0x1BA00];
	v0 =	vadd.f32 v2, v0  }
0x5c: {  	v2 =	vld.idx.msk [tilespmem:v40+s2+$0x0], $0xffff  }
0x5d: {  	v45 =	vld [tilespmem:s19+$0x1BA80];
	v0 =	vadd.f32 v3, v0  }
0x5e: {  	v3 =	vld.idx.msk [tilespmem:v41+s2+$0x0], $0xffff  }
0x5f: {  	v46 =	vld [tilespmem:s19+$0x1C700];
	v0 =	vadd.f32 v1, v0  }
0x60: {  	v1 =	vld.idx.msk [tilespmem:v42+s2+$0x0], $0xffff  }
0x61: {  	v47 =	vld [tilespmem:s19+$0x1C780];
	v0 =	vadd.f32 v2, v0  }
0x62: {  	v2 =	vld.idx.msk [tilespmem:v43+s2+$0x0], $0xffff  }
0x63: {  	v48 =	vld [tilespmem:s19+$0x1C800];
	v0 =	vadd.f32 v3, v0  }
0x64: {  	v3 =	vld.idx.msk [tilespmem:v44+s2+$0x0], $0xffff  }
0x65: {  	v49 =	vld [tilespmem:s19+$0x1C880];
	v0 =	vadd.f32 v1, v0  }
0x66: {  	v1 =	vld.idx.msk [tilespmem:v45+s2+$0x0], $0xffff  }
0x67: {  	v50 =	vld [tilespmem:s19+$0x1C900];
	v0 =	vadd.f32 v2, v0  }
0x68: {  	v2 =	vld.idx.msk [tilespmem:v46+s2+$0x0], $0xffff  }
0x69: {  	v51 =	vld [tilespmem:s19+$0x1C980];
	v0 =	vadd.f32 v3, v0  }
0x6a: {  	v3 =	vld.idx.msk [tilespmem:v47+s2+$0x0], $0xffff  }
0x6b: {  	v52 =	vld [tilespmem:s19+$0x1CA00];
	v0 =	vadd.f32 v1, v0  }
0x6c: {  	v1 =	vld.idx.msk [tilespmem:v48+s2+$0x0], $0xffff  }
0x6d: {  	v53 =	vld [tilespmem:s19+$0x1CA80];
	v0 =	vadd.f32 v2, v0  }
0x6e: {  	v2 =	vld.idx.msk [tilespmem:v49+s2+$0x0], $0xffff  }
0x6f: {  	v54 =	vld [tilespmem:s19+$0x1D700];
	v0 =	vadd.f32 v3, v0  }
0x70: {  	v3 =	vld.idx.msk [tilespmem:v50+s2+$0x0], $0xffff  }
0x71: {  	v55 =	vld [tilespmem:s19+$0x1D780];
	v0 =	vadd.f32 v1, v0  }
0x72: {  	v1 =	vld.idx.msk [tilespmem:v51+s2+$0x0], $0xffff  }
0x73: {  	v56 =	vld [tilespmem:s19+$0x1D800];
	v0 =	vadd.f32 v2, v0  }
0x74: {  	v2 =	vld.idx.msk [tilespmem:v52+s2+$0x0], $0xffff  }
0x75: {  	v57 =	vld [tilespmem:s19+$0x1D880];
	v0 =	vadd.f32 v3, v0  }
0x76: {  	v3 =	vld.idx.msk [tilespmem:v53+s2+$0x0], $0xffff  }
0x77: {  	v58 =	vld [tilespmem:s19+$0x1D900];
	v0 =	vadd.f32 v1, v0  }
0x78: {  	v1 =	vld.idx.msk [tilespmem:v54+s2+$0x0], $0xffff  }
0x79: {  	v59 =	vld [tilespmem:s19+$0x1D980];
	v0 =	vadd.f32 v2, v0  }
0x7a: {  	v2 =	vld.idx.msk [tilespmem:v55+s2+$0x0], $0xffff  }
0x7b: {  	v60 =	vld [tilespmem:s19+$0x1DA00];
	v0 =	vadd.f32 v3, v0  }
0x7c: {  	v3 =	vld.idx.msk [tilespmem:v56+s2+$0x0], $0xffff  }
0x7d: {  	v61 =	vld [tilespmem:s19+$0x1DA80];
	v0 =	vadd.f32 v1, v0  }
0x7e: {  	v1 =	vld.idx.msk [tilespmem:v57+s2+$0x0], $0xffff  }
0x7f: {  	v62 =	vld [tilespmem:s19+$0x1E700];
	v0 =	vadd.f32 v2, v0  }
0x80: {  	v2 =	vld.idx.msk [tilespmem:v58+s2+$0x0], $0xffff  }
0x81: {  	v63 =	vld [tilespmem:s19+$0x1E780];
	v0 =	vadd.f32 v3, v0  }
0x82: {  	v3 =	vld.idx.msk [tilespmem:v59+s2+$0x0], $0xffff  }
0x83: {  	v0 =	vadd.f32 v1, v0  }
0x84: {  	v1 =	vld.idx.msk [tilespmem:v60+s2+$0x0], $0xffff  }
0x85: {  	v0 =	vadd.f32 v2, v0  }
0x86: {  	v2 =	vld.idx.msk [tilespmem:v61+s2+$0x0], $0xffff  }
0x87: {  	v0 =	vadd.f32 v3, v0  }
0x88: {  	v3 =	vld.idx.msk [tilespmem:v62+s2+$0x0], $0xffff  }
0x89: {  	v0 =	vadd.f32 v1, v0  }
0x8a: {  	v1 =	vld.idx.msk [tilespmem:v63+s2+$0x0], $0xffff  }
0x8b: {  	v0 =	vadd.f32 v2, v0  }
0x8c: {  	v2 =	vld [tilespmem:s16+$0x0]  }
0x8d: {  	v0 =	vadd.f32 v3, v0;
	_ =	sdelay $0x1  }
0x8e: {  	v0 =	vadd.f32 v1, v0;
	_ =	sdelay $0x1  }
0x8f: {  	v0 =	vadd.f32 v2, v0;
	_ =	sdelay $0x1  }
0x90: {  	v0 =	vsub.f32 $0.0e+00, v0;
	_ =	sdelay $0x1  }
0x91: {  	v0 =	vmul.f32 $1.442695020e+00, v0;
	_ =	sdelay $0x1  }
0x92: {  	(erf) = vpow2.f32 v0;
	_ =	sdelay $0x8  }
0x93: {  	v0 =	vpop (erf)  }
0x94: {  	v0 =	vadd.f32 $1.000000000e+00, v0;
	_ =	sdelay $0x1  }
0x95: {  	(erf) = vrcp.f32 v0;
	_ =	sdelay $0x7  }
0x96: {  	s21 =	simm.s32 $0x80;
	s22 =	simm.s32 $0x20;
	s20 =	simm.s32 $0x10  }
0x97: {  	s24 =	sand.u32 $0xC00, s21;
	s19 =	simm.s32 $0x1F900;
	s23 =	sand.u32 $0x70, s20;
	v0 =	vpop (erf)  }
.LBB2_2:
0x98: {  	p0 =	sne.s32 s22, $0x1F0;
	s23 =	sor.u32 s23, s24;
	[tilespmem:s19+$0x0] =	vst v0  }
0x99: {  	v0 =	vld [tilespmem:s23+$0x18700]  }
0x9a: {  	s24 =	sadd.s32 $0x18700, s23  }
0x9b: {  	v1 =	vld [tilespmem:s24+$0x80];
	_ =	sdelay $0x1  }
0x9c: {  	v2 =	vld [tilespmem:s24+$0x100]  }
0x9d: {  	v3 =	vld [tilespmem:s24+$0x280]  }
0x9e: {  	v4 =	vld [tilespmem:s24+$0x180]  }
0x9f: {  	v5 =	vld [tilespmem:s24+$0x200]  }
0xa0: {  	s18 =	sadd.s32 $0x10, s18;
	v0 =	vld.idx.msk [tilespmem:v0+s2+$0x0], $0xffff  }
0xa1: {  	v6 =	vld [tilespmem:s18+$0x0]  }
0xa2: {  	v1 =	vld.idx.msk [tilespmem:v1+s2+$0x0], $0xffff  }
0xa3: {  	v7 =	vld [tilespmem:s24+$0x300];
	s24 =	sor.u32 s21, s20;
	s20 =	smov.u32 s22  }
0xa4: {  	v2 =	vld.idx.msk [tilespmem:v2+s2+$0x0], $0xffff;
	s24 =	sor.u32 $0x380, s24  }
0xa5: {  	v8 =	vld [tilespmem:s24+$0x18700]  }
0xa6: {  	v0 =	vadd.f32 v0, v6;
	v4 =	vld.idx.msk [tilespmem:v4+s2+$0x0], $0xffff  }
0xa7: {  	v6 =	vld [tilespmem:s23+$0x19700]  }
0xa8: {  	v0 =	vadd.f32 v1, v0;
	v1 =	vld.idx.msk [tilespmem:v5+s2+$0x0], $0xffff  }
0xa9: {  	v5 =	vld [tilespmem:s23+$0x19780]  }
0xaa: {  	v0 =	vadd.f32 v2, v0;
	v2 =	vld.idx.msk [tilespmem:v3+s2+$0x0], $0xffff  }
0xab: {  	v3 =	vld [tilespmem:s23+$0x19800]  }
0xac: {  	v0 =	vadd.f32 v4, v0;
	v4 =	vld.idx.msk [tilespmem:v7+s2+$0x0], $0xffff  }
0xad: {  	v7 =	vld [tilespmem:s23+$0x19880]  }
0xae: {  	v0 =	vadd.f32 v1, v0;
	v1 =	vld.idx.msk [tilespmem:v8+s2+$0x0], $0xffff  }
0xaf: {  	v8 =	vld [tilespmem:s23+$0x19900]  }
0xb0: {  	v0 =	vadd.f32 v2, v0;
	v2 =	vld.idx.msk [tilespmem:v6+s2+$0x0], $0xffff  }
0xb1: {  	v6 =	vld [tilespmem:s23+$0x19980]  }
0xb2: {  	v0 =	vadd.f32 v4, v0;
	v4 =	vld.idx.msk [tilespmem:v5+s2+$0x0], $0xffff  }
0xb3: {  	v5 =	vld [tilespmem:s23+$0x19A00]  }
0xb4: {  	v0 =	vadd.f32 v1, v0;
	v1 =	vld.idx.msk [tilespmem:v3+s2+$0x0], $0xffff  }
0xb5: {  	v3 =	vld [tilespmem:s23+$0x19A80]  }
0xb6: {  	v0 =	vadd.f32 v2, v0;
	v2 =	vld.idx.msk [tilespmem:v7+s2+$0x0], $0xffff  }
0xb7: {  	v7 =	vld [tilespmem:s23+$0x1A700]  }
0xb8: {  	v0 =	vadd.f32 v4, v0;
	v4 =	vld.idx.msk [tilespmem:v8+s2+$0x0], $0xffff  }
0xb9: {  	v8 =	vld [tilespmem:s23+$0x1A780]  }
0xba: {  	v0 =	vadd.f32 v1, v0;
	v1 =	vld.idx.msk [tilespmem:v6+s2+$0x0], $0xffff  }
0xbb: {  	v6 =	vld [tilespmem:s23+$0x1A800]  }
0xbc: {  	v0 =	vadd.f32 v2, v0;
	v2 =	vld.idx.msk [tilespmem:v5+s2+$0x0], $0xffff  }
0xbd: {  	v5 =	vld [tilespmem:s23+$0x1A880]  }
0xbe: {  	v0 =	vadd.f32 v4, v0;
	v3 =	vld.idx.msk [tilespmem:v3+s2+$0x0], $0xffff  }
0xbf: {  	v4 =	vld [tilespmem:s23+$0x1A900]  }
0xc0: {  	v0 =	vadd.f32 v1, v0;
	v1 =	vld.idx.msk [tilespmem:v7+s2+$0x0], $0xffff  }
0xc1: {  	v7 =	vld [tilespmem:s23+$0x1A980]  }
0xc2: {  	v0 =	vadd.f32 v2, v0;
	v2 =	vld.idx.msk [tilespmem:v8+s2+$0x0], $0xffff  }
0xc3: {  	v8 =	vld [tilespmem:s23+$0x1AA00]  }
0xc4: {  	v0 =	vadd.f32 v3, v0;
	v3 =	vld.idx.msk [tilespmem:v6+s2+$0x0], $0xffff  }
0xc5: {  	v6 =	vld [tilespmem:s23+$0x1AA80]  }
0xc6: {  	v0 =	vadd.f32 v1, v0;
	v1 =	vld.idx.msk [tilespmem:v5+s2+$0x0], $0xffff  }
0xc7: {  	v5 =	vld [tilespmem:s23+$0x1B700]  }
0xc8: {  	v0 =	vadd.f32 v2, v0;
	v2 =	vld.idx.msk [tilespmem:v4+s2+$0x0], $0xffff  }
0xc9: {  	v4 =	vld [tilespmem:s23+$0x1B780]  }
0xca: {  	v0 =	vadd.f32 v3, v0;
	v3 =	vld.idx.msk [tilespmem:v7+s2+$0x0], $0xffff  }
0xcb: {  	v7 =	vld [tilespmem:s23+$0x1B800]  }
0xcc: {  	v0 =	vadd.f32 v1, v0;
	v1 =	vld.idx.msk [tilespmem:v8+s2+$0x0], $0xffff  }
0xcd: {  	v8 =	vld [tilespmem:s23+$0x1B880]  }
0xce: {  	v0 =	vadd.f32 v2, v0;
	v2 =	vld.idx.msk [tilespmem:v6+s2+$0x0], $0xffff  }
0xcf: {  	v6 =	vld [tilespmem:s23+$0x1B900]  }
0xd0: {  	v0 =	vadd.f32 v3, v0;
	v3 =	vld.idx.msk [tilespmem:v5+s2+$0x0], $0xffff  }
0xd1: {  	v5 =	vld [tilespmem:s23+$0x1B980]  }
0xd2: {  	v0 =	vadd.f32 v1, v0;
	v1 =	vld.idx.msk [tilespmem:v4+s2+$0x0], $0xffff  }
0xd3: {  	v4 =	vld [tilespmem:s23+$0x1BA00]  }
0xd4: {  	v0 =	vadd.f32 v2, v0;
	v2 =	vld.idx.msk [tilespmem:v7+s2+$0x0], $0xffff  }
0xd5: {  	v7 =	vld [tilespmem:s23+$0x1BA80]  }
0xd6: {  	v0 =	vadd.f32 v3, v0;
	v3 =	vld.idx.msk [tilespmem:v8+s2+$0x0], $0xffff  }
0xd7: {  	v8 =	vld [tilespmem:s23+$0x1C700]  }
0xd8: {  	v0 =	vadd.f32 v1, v0;
	v1 =	vld.idx.msk [tilespmem:v6+s2+$0x0], $0xffff  }
0xd9: {  	v6 =	vld [tilespmem:s23+$0x1C780]  }
0xda: {  	v0 =	vadd.f32 v2, v0;
	v2 =	vld.idx.msk [tilespmem:v5+s2+$0x0], $0xffff  }
0xdb: {  	v5 =	vld [tilespmem:s23+$0x1C800]  }
0xdc: {  	v0 =	vadd.f32 v3, v0;
	v3 =	vld.idx.msk [tilespmem:v4+s2+$0x0], $0xffff  }
0xdd: {  	v4 =	vld [tilespmem:s23+$0x1C880]  }
0xde: {  	v0 =	vadd.f32 v1, v0;
	v1 =	vld.idx.msk [tilespmem:v7+s2+$0x0], $0xffff  }
0xdf: {  	v7 =	vld [tilespmem:s23+$0x1C900]  }
0xe0: {  	v0 =	vadd.f32 v2, v0;
	v2 =	vld.idx.msk [tilespmem:v8+s2+$0x0], $0xffff  }
0xe1: {  	v8 =	vld [tilespmem:s23+$0x1C980]  }
0xe2: {  	v0 =	vadd.f32 v3, v0;
	v3 =	vld.idx.msk [tilespmem:v6+s2+$0x0], $0xffff  }
0xe3: {  	v6 =	vld [tilespmem:s23+$0x1CA00]  }
0xe4: {  	v0 =	vadd.f32 v1, v0;
	v1 =	vld.idx.msk [tilespmem:v5+s2+$0x0], $0xffff  }
0xe5: {  	v5 =	vld [tilespmem:s23+$0x1CA80]  }
0xe6: {  	v0 =	vadd.f32 v2, v0;
	v2 =	vld.idx.msk [tilespmem:v4+s2+$0x0], $0xffff  }
0xe7: {  	v4 =	vld [tilespmem:s23+$0x1D700]  }
0xe8: {  	v0 =	vadd.f32 v3, v0;
	v3 =	vld.idx.msk [tilespmem:v7+s2+$0x0], $0xffff  }
0xe9: {  	v7 =	vld [tilespmem:s23+$0x1D780]  }
0xea: {  	v0 =	vadd.f32 v1, v0;
	v1 =	vld.idx.msk [tilespmem:v8+s2+$0x0], $0xffff  }
0xeb: {  	v8 =	vld [tilespmem:s23+$0x1D800]  }
0xec: {  	v0 =	vadd.f32 v2, v0;
	v2 =	vld.idx.msk [tilespmem:v6+s2+$0x0], $0xffff  }
0xed: {  	v6 =	vld [tilespmem:s23+$0x1D880]  }
0xee: {  	v0 =	vadd.f32 v3, v0;
	v3 =	vld.idx.msk [tilespmem:v5+s2+$0x0], $0xffff  }
0xef: {  	v5 =	vld [tilespmem:s23+$0x1D900]  }
0xf0: {  	v0 =	vadd.f32 v1, v0;
	v1 =	vld.idx.msk [tilespmem:v4+s2+$0x0], $0xffff  }
0xf1: {  	v4 =	vld [tilespmem:s23+$0x1D980]  }
0xf2: {  	v0 =	vadd.f32 v2, v0;
	v2 =	vld.idx.msk [tilespmem:v7+s2+$0x0], $0xffff  }
0xf3: {  	v7 =	vld [tilespmem:s23+$0x1DA00]  }
0xf4: {  	v0 =	vadd.f32 v3, v0;
	v3 =	vld.idx.msk [tilespmem:v8+s2+$0x0], $0xffff  }
0xf5: {  	v8 =	vld [tilespmem:s23+$0x1DA80]  }
0xf6: {  	v0 =	vadd.f32 v1, v0;
	v1 =	vld.idx.msk [tilespmem:v6+s2+$0x0], $0xffff  }
0xf7: {  	v6 =	vld [tilespmem:s23+$0x1E700]  }
0xf8: {  	v0 =	vadd.f32 v2, v0;
	v2 =	vld.idx.msk [tilespmem:v5+s2+$0x0], $0xffff  }
0xf9: {  	v5 =	vld [tilespmem:s23+$0x1E780]  }
0xfa: {  	v0 =	vadd.f32 v3, v0;
	v3 =	vld.idx.msk [tilespmem:v4+s2+$0x0], $0xffff;
	_ =	sdelay $0x1  }
0xfb: {  	v0 =	vadd.f32 v1, v0;
	v1 =	vld.idx.msk [tilespmem:v7+s2+$0x0], $0xffff;
	_ =	sdelay $0x1  }
0xfc: {  	v0 =	vadd.f32 v2, v0;
	v2 =	vld.idx.msk [tilespmem:v8+s2+$0x0], $0xffff;
	_ =	sdelay $0x1  }
0xfd: {  	v0 =	vadd.f32 v3, v0;
	v3 =	vld.idx.msk [tilespmem:v6+s2+$0x0], $0xffff;
	_ =	sdelay $0x1  }
0xfe: {  	v0 =	vadd.f32 v1, v0;
	v1 =	vld.idx.msk [tilespmem:v5+s2+$0x0], $0xffff;
	_ =	sdelay $0x1  }
0xff: {  	s19 =	sadd.s32 $0x10, s19;
	v0 =	vadd.f32 v2, v0  }
0x100: {  	v2 =	vld [tilespmem:s19+$0x0]  }
0x101: {  	v0 =	vadd.f32 v3, v0;
	_ =	sdelay $0x1  }
0x102: {  	v0 =	vadd.f32 v1, v0;
	_ =	sdelay $0x1  }
0x103: {  	v0 =	vadd.f32 v2, v0;
	_ =	sdelay $0x1  }
0x104: {  	v0 =	vsub.f32 $0.0e+00, v0;
	_ =	sdelay $0x1  }
0x105: {  	v0 =	vmul.f32 $1.442695020e+00, v0;
	_ =	sdelay $0x1  }
0x106: {  	(erf) = vpow2.f32 v0;
	_ =	sdelay $0x8  }
0x107: {  	v0 =	vpop (erf)  }
0x108: {  	v0 =	vadd.f32 $1.000000000e+00, v0;
	_ =	sdelay $0x1  }
0x109: {  	(erf) = vrcp.f32 v0;
	_ =	sdelay $0x4  }
.Ltmp0:
0x10a: {  	(pc) =	sbr.rel @p0 .LBB2_2-.Ltmp0, $3  }
0x10b: {  	_ =	sdelay $0x1  }
0x10c: {  	s21 =	sadd.s32 $0x80, s21  }
0x10d: {  	s22 =	sadd.s32 $0x10, s22;
	s24 =	sand.u32 $0xC00, s21;
	s23 =	sand.u32 $0x70, s20;
	v0 =	vpop (erf)  }
0x10e: {  	s22 =	sor.u32 s23, s24;
	[tilespmem:s19+$0x0] =	vst v0  }
0x10f: {  	v0 =	vld [tilespmem:s22+$0x18700]  }
0x110: {  	s23 =	sadd.s32 $0x18700, s22  }
0x111: {  	v1 =	vld [tilespmem:s23+$0x80];
	_ =	sdelay $0x1  }
0x112: {  	s18 =	sadd.s32 $0x10, s18;
	v2 =	vld [tilespmem:s23+$0x100]  }
0x113: {  	v5 =	vld [tilespmem:s18+$0x0]  }
0x114: {  	v3 =	vld [tilespmem:s23+$0x180]  }
0x115: {  	v4 =	vld [tilespmem:s23+$0x200]  }
0x116: {  	v0 =	vld.idx.msk [tilespmem:v0+s2+$0x0], $0xffff  }
0x117: {  	v6 =	vld [tilespmem:s23+$0x280]  }
0x118: {  	v1 =	vld.idx.msk [tilespmem:v1+s2+$0x0], $0xffff  }
0x119: {  	s30 =	sor.u32 s21, s20;
	v7 =	vld [tilespmem:s23+$0x300]  }
0x11a: {  	s18 =	sor.u32 $0x380, s30;
	v2 =	vld.idx.msk [tilespmem:v2+s2+$0x0], $0xffff  }
0x11b: {  	v8 =	vld [tilespmem:s18+$0x18700];
	v0 =	vadd.f32 v0, v5  }
0x11c: {  	v3 =	vld.idx.msk [tilespmem:v3+s2+$0x0], $0xffff  }
0x11d: {  	v27 =	vld [tilespmem:s22+$0x19700];
	v0 =	vadd.f32 v1, v0  }
0x11e: {  	v28 =	vld.idx.msk [tilespmem:v4+s2+$0x0], $0xffff  }
0x11f: {  	v29 =	vld [tilespmem:s22+$0x19780];
	v0 =	vadd.f32 v2, v0  }
0x120: {  	v30 =	vld.idx.msk [tilespmem:v6+s2+$0x0], $0xffff  }
0x121: {  	v31 =	vld [tilespmem:s22+$0x19800];
	v0 =	vadd.f32 v3, v0  }
0x122: {  	v32 =	vld.idx.msk [tilespmem:v7+s2+$0x0], $0xffff  }
0x123: {  	v33 =	vld [tilespmem:s22+$0x19880];
	v0 =	vadd.f32 v28, v0  }
0x124: {  	v34 =	vld.idx.msk [tilespmem:v8+s2+$0x0], $0xffff  }
0x125: {  	v35 =	vld [tilespmem:s22+$0x19900];
	v0 =	vadd.f32 v30, v0  }
0x126: {  	v36 =	vld.idx.msk [tilespmem:v27+s2+$0x0], $0xffff  }
0x127: {  	v37 =	vld [tilespmem:s22+$0x19980];
	v0 =	vadd.f32 v32, v0  }
0x128: {  	v38 =	vld.idx.msk [tilespmem:v29+s2+$0x0], $0xffff  }
0x129: {  	v39 =	vld [tilespmem:s22+$0x19A00];
	v0 =	vadd.f32 v34, v0  }
0x12a: {  	v40 =	vld.idx.msk [tilespmem:v31+s2+$0x0], $0xffff  }
0x12b: {  	v41 =	vld [tilespmem:s22+$0x19A80];
	v0 =	vadd.f32 v36, v0  }
0x12c: {  	v42 =	vld.idx.msk [tilespmem:v33+s2+$0x0], $0xffff  }
0x12d: {  	v43 =	vld [tilespmem:s22+$0x1A700];
	v0 =	vadd.f32 v38, v0  }
0x12e: {  	v44 =	vld.idx.msk [tilespmem:v35+s2+$0x0], $0xffff  }
0x12f: {  	v45 =	vld [tilespmem:s22+$0x1A780];
	v0 =	vadd.f32 v40, v0  }
0x130: {  	v46 =	vld.idx.msk [tilespmem:v37+s2+$0x0], $0xffff  }
0x131: {  	v47 =	vld [tilespmem:s22+$0x1A800];
	v0 =	vadd.f32 v42, v0  }
0x132: {  	v48 =	vld.idx.msk [tilespmem:v39+s2+$0x0], $0xffff  }
0x133: {  	v49 =	vld [tilespmem:s22+$0x1A880];
	v0 =	vadd.f32 v44, v0  }
0x134: {  	v50 =	vld.idx.msk [tilespmem:v41+s2+$0x0], $0xffff  }
0x135: {  	v51 =	vld [tilespmem:s22+$0x1A900];
	v0 =	vadd.f32 v46, v0  }
0x136: {  	v52 =	vld.idx.msk [tilespmem:v43+s2+$0x0], $0xffff  }
0x137: {  	v53 =	vld [tilespmem:s22+$0x1A980];
	v0 =	vadd.f32 v48, v0  }
0x138: {  	v54 =	vld.idx.msk [tilespmem:v45+s2+$0x0], $0xffff  }
0x139: {  	v55 =	vld [tilespmem:s22+$0x1AA00];
	v0 =	vadd.f32 v50, v0  }
0x13a: {  	v56 =	vld.idx.msk [tilespmem:v47+s2+$0x0], $0xffff  }
0x13b: {  	v57 =	vld [tilespmem:s22+$0x1AA80];
	v0 =	vadd.f32 v52, v0  }
0x13c: {  	v58 =	vld.idx.msk [tilespmem:v49+s2+$0x0], $0xffff  }
0x13d: {  	v59 =	vld [tilespmem:s22+$0x1B700];
	v0 =	vadd.f32 v54, v0  }
0x13e: {  	v60 =	vld.idx.msk [tilespmem:v51+s2+$0x0], $0xffff  }
0x13f: {  	v61 =	vld [tilespmem:s22+$0x1B780];
	v0 =	vadd.f32 v56, v0  }
0x140: {  	v62 =	vld.idx.msk [tilespmem:v53+s2+$0x0], $0xffff  }
0x141: {  	v63 =	vld [tilespmem:s22+$0x1B800];
	v0 =	vadd.f32 v58, v0  }
0x142: {  	v12 =	vld.idx.msk [tilespmem:v55+s2+$0x0], $0xffff  }
0x143: {  	v13 =	vld [tilespmem:s22+$0x1B880];
	v0 =	vadd.f32 v60, v0  }
0x144: {  	v14 =	vld.idx.msk [tilespmem:v57+s2+$0x0], $0xffff  }
0x145: {  	v15 =	vld [tilespmem:s22+$0x1B900];
	v0 =	vadd.f32 v62, v0  }
0x146: {  	v16 =	vld.idx.msk [tilespmem:v59+s2+$0x0], $0xffff  }
0x147: {  	v17 =	vld [tilespmem:s22+$0x1B980];
	v0 =	vadd.f32 v12, v0  }
0x148: {  	v18 =	vld.idx.msk [tilespmem:v61+s2+$0x0], $0xffff  }
0x149: {  	v19 =	vld [tilespmem:s22+$0x1BA00];
	v0 =	vadd.f32 v14, v0  }
0x14a: {  	v20 =	vld.idx.msk [tilespmem:v63+s2+$0x0], $0xffff  }
0x14b: {  	v21 =	vld [tilespmem:s22+$0x1BA80];
	v0 =	vadd.f32 v16, v0  }
0x14c: {  	v22 =	vld.idx.msk [tilespmem:v13+s2+$0x0], $0xffff  }
0x14d: {  	v23 =	vld [tilespmem:s22+$0x1C700];
	v0 =	vadd.f32 v18, v0  }
0x14e: {  	v24 =	vld.idx.msk [tilespmem:v15+s2+$0x0], $0xffff  }
0x14f: {  	v25 =	vld [tilespmem:s22+$0x1C780];
	v0 =	vadd.f32 v20, v0  }
0x150: {  	v26 =	vld.idx.msk [tilespmem:v17+s2+$0x0], $0xffff  }
0x151: {  	v27 =	vld [tilespmem:s22+$0x1C800];
	v0 =	vadd.f32 v22, v0  }
0x152: {  	v28 =	vld.idx.msk [tilespmem:v19+s2+$0x0], $0xffff  }
0x153: {  	v29 =	vld [tilespmem:s22+$0x1C880];
	v0 =	vadd.f32 v24, v0  }
0x154: {  	v30 =	vld.idx.msk [tilespmem:v21+s2+$0x0], $0xffff  }
0x155: {  	v31 =	vld [tilespmem:s22+$0x1C900];
	v0 =	vadd.f32 v26, v0  }
0x156: {  	v32 =	vld.idx.msk [tilespmem:v23+s2+$0x0], $0xffff  }
0x157: {  	v33 =	vld [tilespmem:s22+$0x1C980];
	v0 =	vadd.f32 v28, v0  }
0x158: {  	v34 =	vld.idx.msk [tilespmem:v25+s2+$0x0], $0xffff  }
0x159: {  	v35 =	vld [tilespmem:s22+$0x1CA00];
	v0 =	vadd.f32 v30, v0  }
0x15a: {  	v36 =	vld.idx.msk [tilespmem:v27+s2+$0x0], $0xffff  }
0x15b: {  	v37 =	vld [tilespmem:s22+$0x1CA80];
	v0 =	vadd.f32 v32, v0  }
0x15c: {  	v38 =	vld.idx.msk [tilespmem:v29+s2+$0x0], $0xffff  }
0x15d: {  	v39 =	vld [tilespmem:s22+$0x1D700];
	v0 =	vadd.f32 v34, v0  }
0x15e: {  	v40 =	vld.idx.msk [tilespmem:v31+s2+$0x0], $0xffff  }
0x15f: {  	v41 =	vld [tilespmem:s22+$0x1D780];
	v0 =	vadd.f32 v36, v0  }
0x160: {  	v42 =	vld.idx.msk [tilespmem:v33+s2+$0x0], $0xffff  }
0x161: {  	v43 =	vld [tilespmem:s22+$0x1D800];
	v0 =	vadd.f32 v38, v0  }
0x162: {  	v44 =	vld.idx.msk [tilespmem:v35+s2+$0x0], $0xffff  }
0x163: {  	v45 =	vld [tilespmem:s22+$0x1D880];
	v0 =	vadd.f32 v40, v0  }
0x164: {  	v46 =	vld.idx.msk [tilespmem:v37+s2+$0x0], $0xffff  }
0x165: {  	v47 =	vld [tilespmem:s22+$0x1D900];
	v0 =	vadd.f32 v42, v0  }
0x166: {  	v48 =	vld.idx.msk [tilespmem:v39+s2+$0x0], $0xffff  }
0x167: {  	v49 =	vld [tilespmem:s22+$0x1D980];
	v0 =	vadd.f32 v44, v0  }
0x168: {  	v50 =	vld.idx.msk [tilespmem:v41+s2+$0x0], $0xffff  }
0x169: {  	v51 =	vld [tilespmem:s22+$0x1DA00];
	v0 =	vadd.f32 v46, v0  }
0x16a: {  	v52 =	vld.idx.msk [tilespmem:v43+s2+$0x0], $0xffff  }
0x16b: {  	v53 =	vld [tilespmem:s22+$0x1DA80];
	v0 =	vadd.f32 v48, v0  }
0x16c: {  	v54 =	vld.idx.msk [tilespmem:v45+s2+$0x0], $0xffff  }
0x16d: {  	v55 =	vld [tilespmem:s22+$0x1E700];
	v0 =	vadd.f32 v50, v0  }
0x16e: {  	v56 =	vld.idx.msk [tilespmem:v47+s2+$0x0], $0xffff  }
0x16f: {  	v57 =	vld [tilespmem:s22+$0x1E780];
	v0 =	vadd.f32 v52, v0  }
0x170: {  	v58 =	vld.idx.msk [tilespmem:v49+s2+$0x0], $0xffff  }
0x171: {  	v0 =	vadd.f32 v54, v0  }
0x172: {  	v59 =	vld.idx.msk [tilespmem:v51+s2+$0x0], $0xffff  }
0x173: {  	v0 =	vadd.f32 v56, v0  }
0x174: {  	v60 =	vld.idx.msk [tilespmem:v53+s2+$0x0], $0xffff  }
0x175: {  	v0 =	vadd.f32 v58, v0  }
0x176: {  	v61 =	vld.idx.msk [tilespmem:v55+s2+$0x0], $0xffff  }
0x177: {  	v0 =	vadd.f32 v59, v0  }
0x178: {  	v62 =	vld.idx.msk [tilespmem:v57+s2+$0x0], $0xffff  }
0x179: {  	s31 =	sadd.s32 $0x10, s19;
	v0 =	vadd.f32 v60, v0  }
0x17a: {  	v63 =	vld [tilespmem:s31+$0x0]  }
0x17b: {  	v0 =	vadd.f32 v61, v0;
	_ =	sdelay $0x1  }
0x17c: {  	v0 =	vadd.f32 v62, v0;
	_ =	sdelay $0x1  }
0x17d: {  	v0 =	vadd.f32 v63, v0;
	_ =	sdelay $0x1  }
0x17e: {  	v0 =	vsub.f32 $0.0e+00, v0;
	_ =	sdelay $0x1  }
0x17f: {  	v0 =	vmul.f32 $1.442695020e+00, v0;
	_ =	sdelay $0x1  }
0x180: {  	(erf) = vpow2.f32 v0;
	_ =	sdelay $0x8  }
0x181: {  	v0 =	vpop (erf)  }
0x182: {  	v0 =	vadd.f32 $1.000000000e+00, v0;
	_ =	sdelay $0x1  }
0x183: {  	(erf) = vrcp.f32 v0;
	_ =	sdelay $0x7  }
0x184: {  	s17 =	sadd.s32 $0x1, s17  }
0x185: {  	p0 =	sne.s32 s17, s8;
	v0 =	vpop (erf)  }
.Ltmp1:
0x186: {  	[tilespmem:s31+$0x0] =	vst v0;
	(pc) =	sbr.rel @p0 .LBB2_1-.Ltmp1, $4  }
0x187: {  	[hbm4b:s7+s2] =	stream.linear.scatter [tilespmem:s16], [sflag:$0x4], $0x200, $0x38;
	[tilespmem:$0x1FB00] =	vst v63  }
0x188: {  	_ =	swait.ge [sflag:s12], $0x200  }
0x189: {  	[sflag:s12] =	ssyncset.done $0x0  }
0x18a: {  	[sflag:s12] =	ssyncadd.s32 $0xFFFFFE00  }
0x18b: {  	_ =	sfence.sel $0x180000  }
0x18c: {  	[bflag:$0x0] =	sbarrier.arrive $0xFFFF  }
0x18d: {  	p0 =	sne.s32 s1, $0x0;
	_ =	strace $0x9000004A  }
0x18e: {  	s0 =	sadd.s32 @!p0 $0x100000, s0;
	[bflag:$0x2] =	sbarrier.arrive $0xFFFF  }
0x18f: {  	[sflag:s0] =	ssyncadd.tile.s32 @!p0 $0x1;
	_ =	shalt  }
.Lfunc_end2:
_tile_overlayer_lowered:
.L_overlay_start_2:
0x190: {  	(tag) =	ssettag $0x2  }
0x191: {  	s0 =	rddreg [dreg:$0x0];
	s2 =	stileid.u32  }
0x192: {  	s1 =	rddreg [dreg:$0x1];
	p0 =	sne.s32 s2, $0x0  }
0x193: {  	s3 =	rddreg [dreg:$0x2];
	[bflag:$0x3] =	sbarrier.arrive $0xFFFF;
	s2 =	simm.s32 @!p0 $0x1C04  }
0x194: {  	[timem:s3], [sflag:s2] =	dma.local @!p0 [hbm:s0], s1  }
0x195: {  	s0 =	simm.s32 @!p0 $0x4  }
0x196: {  	_ =	swait.ge @!p0 [sflag:s0], s1  }
0x197: {  	s1 =	ssub.s32 @!p0 $0x0, s1;
	[sflag:s0] =	ssyncset.done @!p0 $0x0  }
0x198: {  	[sflag:s0] =	ssyncadd.s32 @!p0 s1  }
0x199: {  	[bflag:$0x3] =	sbarrier.arrive $0xFFFF  }
0x19a: {  	_ =	shalt  }

// kernel: kernel.7.cloned.1.call-start
scs
__scs_entry_jumppad:
0x0: {  	(pc) =	sbr.rel $0x88, $3  }
0x1: {  	(tag) =	ssettag $0x0;
	lr =	simm.s32 $0x1  }
0x2: {  	[smem:$0x3F9A] =	sst lr;
	_ =	strace $0xD0000000  }
0x3: {  	_ = 	snop  }
0x4: {  	_ = 	snop  }
0x5: {  	_ = 	snop  }
0x6: {  	_ = 	snop  }
0x7: {  	_ = 	snop  }
__scs_overlays_trampoline_lowered:
0x8: {  	[smem:$0x3FA9] =	sst s0  }
0x9: {  	[smem:$0x3FAA] =	sst s1  }
0xa: {  	[smem:$0x3FAB] =	sst s2  }
0xb: {  	[smem:$0x3FAC] =	sst s3  }
0xc: {  	[smem:$0x3FAD] =	sst s4  }
0xd: {  	[smem:$0x3FAE] =	sst s5  }
0xe: {  	[smem:$0x3FAF] =	sst s6  }
0xf: {  	[smem:$0x3FB0] =	sst s7  }
0x10: {  	[smem:$0x3FB1] =	sst s8  }
0x11: {  	[smem:$0x3FB2] =	sst s9;
	s0 =	simm.s32 @!p0 $0x0  }
0x12: {  	s1 =	sld [smem:$0x3F98];
	s0 =	simm.s32 @p0 $0x1  }
0x13: {  	[smem:$0x3FB3] =	sst s0;
	s0 =	simm.s32 @!p1 $0x0  }
0x14: {  	s2 =	sld [smem:$0x3F97];
	s0 =	simm.s32 @p1 $0x1  }
0x15: {  	[smem:$0x3FB4] =	sst s0;
	s0 =	simm.s32 @!p2 $0x0  }
0x16: {  	s3 =	sld [smem:$0x3FDB];
	s0 =	simm.s32 @p2 $0x1  }
0x17: {  	s4 =	simm.s32 $0x1BF5;
	[smem:$0x3FB6] =	sst s0  }
0x18: {  	s0 =	sld [smem:$0x3F99];
	_ =	swait.ge [sflag:s4], $0x0  }
0x19: {  	s7 =	sld [smem:$0x3F9A]  }
0x1a: {  	s8 =	sadd.s32 $0xFFFFE003, lr  }
0x1b: {  	s9 =	sadd.s32 $0xFFFFFEF7, lr;
	s5 =	simm.s32 $0xFFFFFFFF;
	p2 =	slt.u32 s8, $0xFFFFF086  }
0x1c: {  	p1 =	slt.u32 s9, $0xF7A;
	s5 =	simm.s32 @!p2 $0x0  }
0x1d: {  	s5 =	simm.s32 @p1 $0x1;
	p0 =	seq.s32 s7, s2  }
0x1e: {  	s7 =	smul.u32 @!p0 $0xF7A, s2;
	p2 =	seq.s32 @!p0 s5, $0x0  }
0x1f: {  	s9 =	smul.u32 $0xF7A, s1;
	s8 =	simm.s32 @!p0 $0x1BF5;
	p2 =	por !p2, p0  }
0x20: {  	[sflag:s8] =	ssyncset.s32 @!p0 $0xFFFFF086;
	s6 =	sadd.s32 @!p0 s3, s7;
	s7 =	simm.s32 @!p0 $0x108  }
0x21: {  	s3 =	sadd.s32 s3, s9;
	s6 =	sadd.s32 @!p0 $0x88, s6;
	s7 =	simm.s32 @p2 $0x1082  }
0x22: {  	[simem:s7], [sflag:s8] =	dma.local @!p0 [hbm:s6], $0xF7A  }
0x23: {  	s9 =	sor.u32 $0xD0000000, s2;
	s6 =	simm.s32 $0x108;
	_ =	swait.ge @!p0 [sflag:s8], $0x0  }
0x24: {  	s3 =	sadd.s32 $0x88, s3;
	s6 =	simm.s32 @!p1 $0x1082;
	[sflag:s4] =	ssyncset.s32 $0xFFFFF086  }
0x25: {  	[simem:s6], [sflag:s4] =	dma.local [hbm:s3], $0xF7A  }
0x26: {  	[smem:$0x3F9A] =	sst s1;
	(tag) =	ssettag s2;
	_ =	strace s9  }
0x27: {  	s1 =	sld [smem:$0x3FAA]  }
0x28: {  	s2 =	sld [smem:$0x3FAB]  }
0x29: {  	s4 =	sld [smem:$0x3FAD]  }
0x2a: {  	p0 =	seq.s32 s5, $0x0;
	s5 =	sld [smem:$0x3FAE]  }
0x2b: {  	s6 =	sld [smem:$0x3FAF]  }
0x2c: {  	s7 =	sld [smem:$0x3FB0]  }
0x2d: {  	s3 =	simm.s32 $0x108;
	s8 =	sld [smem:$0x3FB1]  }
0x2e: {  	s3 =	simm.s32 @!p0 $0x1082;
	s9 =	sld [smem:$0x3FB2]  }
0x2f: {  	lr =	sadd.s32 s0, s3;
	s0 =	sld [smem:$0x3FA9]  }
0x30: {  	s3 =	sld [smem:$0x3FAC]  }
0x31: {  	[smem:$0x3FB5] =	sst s10  }
0x32: {  	s10 =	sld [smem:$0x3FB3];
	_ =	sdelay $0x3  }
0x33: {  	p0 =	seq.s32 s10, $0x1;
	s10 =	sld [smem:$0x3FB5];
	_ =	sdelay $0x3  }
0x34: {  	[smem:$0x3FB5] =	sst s10  }
0x35: {  	s10 =	sld [smem:$0x3FB4];
	_ =	sdelay $0x3  }
0x36: {  	p1 =	seq.s32 s10, $0x1;
	s10 =	sld [smem:$0x3FB5];
	_ =	sdelay $0x3  }
0x37: {  	[smem:$0x3FB5] =	sst s10  }
0x38: {  	s10 =	sld [smem:$0x3FB6]  }
0x39: {  	_ = 	snop;
	(pc) =	sbr.ind lr, $3  }
0x3a: {  	_ = 	snop  }
0x3b: {  	_ = 	snop  }
0x3c: {  	p2 =	seq.s32 s10, $0x1;
	s10 =	sld [smem:$0x3FB5]  }
0x3d: {  	_ =	shalt  }
0x3e: {  	_ =	shalt  }
0x3f: {  	_ =	shalt  }
0x40: {  	_ =	shalt  }
0x41: {  	_ =	shalt  }
0x42: {  	_ =	shalt  }
0x43: {  	_ =	shalt  }
0x44: {  	_ =	shalt  }
0x45: {  	_ =	shalt  }
0x46: {  	_ =	shalt  }
0x47: {  	_ =	shalt  }
0x48: {  	_ =	shalt  }
0x49: {  	_ =	shalt  }
0x4a: {  	_ =	shalt  }
0x4b: {  	_ =	shalt  }
0x4c: {  	_ =	shalt  }
0x4d: {  	_ =	shalt  }
0x4e: {  	_ =	shalt  }
0x4f: {  	_ =	shalt  }
0x50: {  	_ =	shalt  }
0x51: {  	_ =	shalt  }
0x52: {  	_ =	shalt  }
0x53: {  	_ =	shalt  }
0x54: {  	_ =	shalt  }
0x55: {  	_ =	shalt  }
0x56: {  	_ =	shalt  }
0x57: {  	_ =	shalt  }
0x58: {  	_ =	shalt  }
0x59: {  	_ =	shalt  }
0x5a: {  	_ =	shalt  }
0x5b: {  	_ =	shalt  }
0x5c: {  	_ =	shalt  }
0x5d: {  	_ =	shalt  }
0x5e: {  	_ =	shalt  }
0x5f: {  	_ =	shalt  }
0x60: {  	_ =	shalt  }
0x61: {  	_ =	shalt  }
0x62: {  	_ =	shalt  }
0x63: {  	_ =	shalt  }
0x64: {  	_ =	shalt  }
0x65: {  	_ =	shalt  }
0x66: {  	_ =	shalt  }
0x67: {  	_ =	shalt  }
0x68: {  	_ =	shalt  }
0x69: {  	_ =	shalt  }
0x6a: {  	_ =	shalt  }
0x6b: {  	_ =	shalt  }
0x6c: {  	_ =	shalt  }
0x6d: {  	_ =	shalt  }
0x6e: {  	_ =	shalt  }
0x6f: {  	_ =	shalt  }
0x70: {  	_ =	shalt  }
0x71: {  	_ =	shalt  }
0x72: {  	_ =	shalt  }
0x73: {  	_ =	shalt  }
0x74: {  	_ =	shalt  }
0x75: {  	_ =	shalt  }
0x76: {  	_ =	shalt  }
0x77: {  	_ =	shalt  }
0x78: {  	_ =	shalt  }
0x79: {  	_ =	shalt  }
0x7a: {  	_ =	shalt  }
0x7b: {  	_ =	shalt  }
0x7c: {  	_ =	shalt  }
0x7d: {  	_ =	shalt  }
0x7e: {  	_ =	shalt  }
0x7f: {  	_ =	shalt  }
0x80: {  	_ =	shalt  }
0x81: {  	_ =	shalt  }
0x82: {  	_ =	shalt  }
0x83: {  	_ =	shalt  }
0x84: {  	_ =	shalt  }
0x85: {  	_ =	shalt  }
0x86: {  	_ =	shalt  }
0x87: {  	_ =	shalt  }
.Lfunc_end0:
.L_simem_size_0:
called_computation_lowered:
.L_overlay_start_0:
0x88: {  	s2 =	sld [smem:$0x3FD9]  }
0x89: {  	s3 =	sld [smem:$0x3FFE];
	_ =	sdelay $0x1  }
0x8a: {  	s1 =	srdreg.scid  }
0x8b: {  	s0 =	sand.u32 $0x1, s1  }
0x8c: {  	s16 =	sshll.u32 s0, $0xA;
	s2 =	sadd.s32 s3, s2  }
0x8d: {  	s2 =	sadd.s32 s2, s16  }
0x8e: {  	[smem:$0x3FC1] =	sst s2  }
0x8f: {  	_ = 	snop  }
0x90: {  	(tm) =	ssettm $0x1  }
0x91: {  	s17 =	sld [smem:$0x3FFB];
	_ =	sdelay $0x3  }
0x92: {  	_ =	strace s17  }
0x93: {  	s2 =	sld [smem:$0x3FFC];
	_ =	sdelay $0x3  }
0x94: {  	_ =	strace s2  }
0x95: {  	s2 =	sld [smem:$0x3FFD];
	_ =	sdelay $0x3  }
0x96: {  	_ =	strace s2  }
0x97: {  	_ =	strace $0x8FFFFFFF  }
0x98: {  	s18 =	sld [smem:$0x3FDB];
	_ =	sdelay $0x1  }
0x99: {  	s19 =	simm.s32 $_scs_section_size  }
0x9a: {  	s4 =	simm.s32 $_size__tile_overlayer_lowered;
	s5 =	simm.s32 $_tile_overlayer_lowered  }
0x9b: {  	s22 =	simm.s32 $0x1BFF;
	s21 =	sshll.u32 s5, $0x1;
	s2 =	sadd.s32 s19, s18  }
0x9c: {  	s6 =	simm.s32 $0x0;
	s20 =	sshll.u32 s4, $0x1;
	s4 =	sadd.s32 s21, s2  }
0x9d: {  	[timem:s6], [sflag:s22] =	dma.local [hbm:s4], s20  }
0x9e: {  	_ =	swait.ge [sflag:s22], s20  }
0x9f: {  	s3 =	ssub.s32 $0x0, s20;
	[sflag:s22] =	ssyncset.done $0x0  }
0xa0: {  	[sflag:s22] =	ssyncadd.s32 s3;
	_ =	sdelay $0x1  }
0xa1: {  	s23 =	simm.s32 $0x1B8B  }
0xa2: {  	_ =	swait.ge [sflag:s23], $0x1  }
0xa3: {  	[sflag:s23] =	ssyncset.done $0x0  }
0xa4: {  	s25 =	simm.s32 $0x1B8E;
	s24 =	sld [smem:$0x3FFE];
	[sflag:s23] =	ssyncadd.s32 $0xFFFFFFFF  }
0xa5: {  	s26 =	simm.s32 $execute0_lowered;
	[smem:$0x3FD2] =	sst s25  }
0xa6: {  	s4 =	sshll.u32 s26, $0x1;
	_ =	strace $0x80000046;
	[dreg:$0x1] =	wrdreg $0xFFFFFFFF  }
0xa7: {  	s28 =	simm.s32 $_size_execute0_lowered;
	s2 =	sadd.s32 s2, s4;
	[dreg:$0x0] =	wrdreg $0x0  }
0xa8: {  	s4 =	sshll.u32 s28, $0x1;
	[dreg:$0x2] =	wrdreg s2  }
0xa9: {  	[dreg:$0x3] =	wrdreg s4  }
0xaa: {  	[dreg:$0x4] =	wrdreg $0xC0  }
0xab: {  	_ =	task [dreg:s6], $0x5FFFF  }
0xac: {  	[dreg:$0x1] =	wrdreg $0xFFFFFFFF  }
0xad: {  	[dreg:$0x0] =	wrdreg $0x60  }
0xae: {  	[dreg:$0x2] =	wrdreg s24  }
0xaf: {  	[dreg:$0x3] =	wrdreg $0x9  }
0xb0: {  	_ =	task.clear_ibuf [dreg:s6], $0x4FFFF;
	_ =	strace $0x90000046  }
0xb1: {  	s29 =	simm.s32 $0x9;
	_ =	strace $0x80000048  }
0xb2: {  	_ =	swait.ge [sflag:s29], $0x1  }
0xb3: {  	[sflag:s29] =	ssyncadd.s32 $0xFFFFFFFF  }
0xb4: {  	_ =	strace $0x90000048  }
0xb5: {  	_ =	sfence  }
0xb6: {  	s30 =	sld [smem:$0x0];
	_ =	sdelay $0x2  }
0xb7: {  	s31 =	sshll.u32 s1, $0xD;
	s1 =	sshrl.u32 s1, $0x2  }
0xb8: {  	s3 =	sand.u32 $0x4000, s31;
	s1 =	sadd.s32 s1, s30  }
0xb9: {  	s0 =	sor.u32 s3, s0;
	s1 =	sshll.u32 s1, $0x11  }
0xba: {  	s0 =	sor.u32 s1, s0  }
0xbb: {  	s0 =	sadd.s32 $0x8F2B, s0  }
0xbc: {  	[sflag:s0] =	ssyncadd.remote.s32 $0x1  }
0xbd: {  	_ =	sfence.sel $0xFFFF  }
0xbe: {  	[dreg:$0x0] =	wrdreg $0xFFFFFFFF;
	(pc) =	sbr.abs _section_cstart, $3  }
0xbf: {  	[dreg:$0x1] =	wrdreg $0xFFFFFFFF  }
0xc0: {  	_ =	task.clear_ibuf [dreg:s6], $0x2FFFF;
	_ =	strace $0x9FFFFFFF  }
0xc1: {  	(tm) =	ssettm $0x7FFFFFFF  }
tec
execute0_lowered:
.L_overlay_start_1:
0x0: {  	(tag) =	ssettag $0x1  }
0x1: {  	s4 =	rddreg [dreg:$0x0]  }
0x2: {  	s0 =	rddreg [dreg:$0x1];
	s2 =	simm.s32 $0x0;
	s3 =	srdreg.scid  }
0x3: {  	s1 =	stileid.u32;
	s9 =	simm.s32 $0x6600;
	s10 =	simm.s32 $0x2  }
0x4: {  	s11 =	simm.s32 $0x1;
	s12 =	simm.s32 $0xA600;
	s13 =	simm.s32 $0x0  }
0x5: {  	[smem:$0x7FF] =	sst s2;
	s5 =	sand.u32 $0x1, s3;
	s6 =	sshll.u32 s1, $0xA  }
0x6: {  	s3 =	sadd.s32 $0x800, s4;
	s7 =	sshll.u32 s5, $0x9;
	s5 =	ssub.s32 $0x2, s5  }
0x7: {  	_ =	strace $0x80000047;
	s6 =	sor.u32 s7, s6;
	s8 =	sshrl.u32 s5, $0x1  }
0x8: {  	s7 =	sadd.s32 s6, s4;
	s6 =	sshrl.u32 s6, $0x3;
	s8 =	ssub.s32 s5, s8  }
0x9: {  	s6 =	sadd.s32 s6, s4;
	s4 =	sadd.s32 $0x1600, s7;
	s7 =	simm.s32 $0x1000  }
0xa: {  	s5 =	sadd.s32 $0x11600, s6;
	s6 =	smax.u32 s8, $0x1;
	s8 =	simm.s32 $0x20000  }
.LBB2_1:
0xb: {  	[tilespmem:s9], [sflag:$0x1] =	stream.strided.gather [hbm4b:s4+s7], $0x4000, s8, s7, $0x38;
	[tilespmem:$0xA800] =	vst v63  }
0xc: {  	_ = 	snop  }
0xd: {  	[tilespmem:s2], [sflag:$0x2] =	stream.linear.gather [hbm4b:s3+s2], $0x6600, $0x38;
	[tilespmem:$0xA800] =	vst v63  }
0xe: {  	_ =	swait.ge [sflag:s10], $0x6600  }
0xf: {  	[sflag:s10] =	ssyncset.done $0x0  }
0x10: {  	[sflag:s10] =	ssyncadd.s32 $0xFFFF9A00  }
0x11: {  	_ =	swait.ge [sflag:s11], $0x4000  }
0x12: {  	s14 =	sand.u32 $0x70, s2;
	s15 =	sand.u32 $0xC00, s2;
	[sflag:s11] =	ssyncset.done $0x0  }
0x13: {  	s14 =	sor.u32 s14, s15;
	[sflag:s11] =	ssyncadd.s32 $0xFFFFC000  }
0x14: {  	v0 =	vld [tilespmem:s14+$0x6600]  }
0x15: {  	v1 =	vld [tilespmem:s14+$0x6680];
	_ =	sdelay $0x1  }
0x16: {  	v2 =	vld [tilespmem:s14+$0x6700];
	_ =	sdelay $0x1  }
0x17: {  	v3 =	vld [tilespmem:s14+$0x6780]  }
0x18: {  	v1 =	vadd.s32 $0x3E8, v1  }
0x19: {  	v4 =	vld [tilespmem:s14+$0x6800]  }
0x1a: {  	v5 =	vld [tilespmem:s14+$0x6880];
	v2 =	vadd.s32 $0x7D0, v2  }
0x1b: {  	v0 =	vld.idx.msk [tilespmem:v0+s2+$0x0], $0xffff  }
0x1c: {  	v6 =	vld [tilespmem:s14+$0x6900];
	v3 =	vadd.s32 $0xBB8, v3  }
0x1d: {  	v1 =	vld.idx.msk [tilespmem:v1+s2+$0x0], $0xffff  }
0x1e: {  	v7 =	vld [tilespmem:s14+$0x6980];
	v4 =	vadd.s32 $0xFA0, v4  }
0x1f: {  	v2 =	vld.idx.msk [tilespmem:v2+s2+$0x0], $0xffff  }
0x20: {  	v8 =	vld [tilespmem:s14+$0x7600];
	v5 =	vadd.s32 $0x1388, v5;
	v0 =	vadd.f32 $0.0e+00, v0  }
0x21: {  	v3 =	vld.idx.msk [tilespmem:v3+s2+$0x0], $0xffff  }
0x22: {  	v9 =	vld [tilespmem:s14+$0x7680];
	v6 =	vadd.s32 $0x1770, v6;
	v0 =	vadd.f32 v1, v0  }
0x23: {  	v59 =	vld.idx.msk [tilespmem:v4+s2+$0x0], $0xffff  }
0x24: {  	v61 =	vld [tilespmem:s14+$0x7700];
	v60 =	vadd.s32 $0x1B58, v7;
	v0 =	vadd.f32 v2, v0  }
0x25: {  	v62 =	vld.idx.msk [tilespmem:v5+s2+$0x0], $0xffff  }
0x26: {  	v12 =	vld [tilespmem:s14+$0x7780];
	v63 =	vadd.s32 $0x1F40, v8;
	v0 =	vadd.f32 v3, v0  }
0x27: {  	v13 =	vld.idx.msk [tilespmem:v6+s2+$0x0], $0xffff  }
0x28: {  	v15 =	vld [tilespmem:s14+$0x7800];
	v14 =	vadd.s32 $0x2328, v9;
	v0 =	vadd.f32 v59, v0  }
0x29: {  	v16 =	vld.idx.msk [tilespmem:v60+s2+$0x0], $0xffff  }
0x2a: {  	v18 =	vld [tilespmem:s14+$0x7880];
	v17 =	vadd.s32 $0x2710, v61;
	v0 =	vadd.f32 v62, v0  }
0x2b: {  	v19 =	vld.idx.msk [tilespmem:v63+s2+$0x0], $0xffff  }
0x2c: {  	v21 =	vld [tilespmem:s14+$0x7900];
	v20 =	vadd.s32 $0x2AF8, v12;
	v0 =	vadd.f32 v13, v0  }
0x2d: {  	v22 =	vld.idx.msk [tilespmem:v14+s2+$0x0], $0xffff  }
0x2e: {  	v24 =	vld [tilespmem:s14+$0x7980];
	v23 =	vadd.s32 $0x2EE0, v15;
	v0 =	vadd.f32 v16, v0  }
0x2f: {  	v25 =	vld.idx.msk [tilespmem:v17+s2+$0x0], $0xffff  }
0x30: {  	v27 =	vld [tilespmem:s14+$0x8600];
	v26 =	vadd.s32 $0x32C8, v18;
	v0 =	vadd.f32 v19, v0  }
0x31: {  	v28 =	vld.idx.msk [tilespmem:v20+s2+$0x0], $0xffff  }
0x32: {  	v30 =	vld [tilespmem:s14+$0x8680];
	v29 =	vadd.s32 $0x36B0, v21;
	v0 =	vadd.f32 v22, v0  }
0x33: {  	v31 =	vld.idx.msk [tilespmem:v23+s2+$0x0], $0xffff  }
0x34: {  	v33 =	vld [tilespmem:s14+$0x8700];
	v32 =	vadd.s32 $0x3A98, v24;
	v0 =	vadd.f32 v25, v0  }
0x35: {  	v34 =	vld.idx.msk [tilespmem:v26+s2+$0x0], $0xffff  }
0x36: {  	v36 =	vld [tilespmem:s14+$0x8780];
	v35 =	vadd.s32 $0x3E80, v27;
	v0 =	vadd.f32 v28, v0  }
0x37: {  	v37 =	vld.idx.msk [tilespmem:v29+s2+$0x0], $0xffff  }
0x38: {  	v39 =	vld [tilespmem:s14+$0x8800];
	v38 =	vadd.s32 $0x4268, v30;
	v0 =	vadd.f32 v31, v0  }
0x39: {  	v40 =	vld.idx.msk [tilespmem:v32+s2+$0x0], $0xffff  }
0x3a: {  	v42 =	vld [tilespmem:s14+$0x8880];
	v41 =	vadd.s32 $0x4650, v33;
	v0 =	vadd.f32 v34, v0  }
0x3b: {  	v43 =	vld.idx.msk [tilespmem:v35+s2+$0x0], $0xffff  }
0x3c: {  	v45 =	vld [tilespmem:s14+$0x8900];
	v44 =	vadd.s32 $0x4A38, v36;
	v0 =	vadd.f32 v37, v0  }
0x3d: {  	v46 =	vld.idx.msk [tilespmem:v38+s2+$0x0], $0xffff  }
0x3e: {  	v48 =	vld [tilespmem:s14+$0x8980];
	v47 =	vadd.s32 $0x4E20, v39;
	v0 =	vadd.f32 v40, v0  }
0x3f: {  	v49 =	vld.idx.msk [tilespmem:v41+s2+$0x0], $0xffff  }
0x40: {  	v51 =	vld [tilespmem:s14+$0x9600];
	v50 =	vadd.s32 $0x5208, v42;
	v0 =	vadd.f32 v43, v0  }
0x41: {  	v52 =	vld.idx.msk [tilespmem:v44+s2+$0x0], $0xffff  }
0x42: {  	v54 =	vld [tilespmem:s14+$0x9680];
	v53 =	vadd.s32 $0x55F0, v45;
	v0 =	vadd.f32 v46, v0  }
0x43: {  	v55 =	vld.idx.msk [tilespmem:v47+s2+$0x0], $0xffff  }
0x44: {  	v56 =	vadd.s32 $0x59D8, v48;
	v0 =	vadd.f32 v49, v0  }
0x45: {  	v57 =	vld.idx.msk [tilespmem:v50+s2+$0x0], $0xffff  }
0x46: {  	v58 =	vadd.s32 $0x5DC0, v51;
	v0 =	vadd.f32 v52, v0  }
0x47: {  	v59 =	vld.idx.msk [tilespmem:v53+s2+$0x0], $0xffff  }
0x48: {  	v60 =	vadd.s32 $0x61A8, v54;
	v0 =	vadd.f32 v55, v0  }
0x49: {  	v61 =	vld.idx.msk [tilespmem:v56+s2+$0x0], $0xffff  }
0x4a: {  	v0 =	vadd.f32 v57, v0  }
0x4b: {  	v62 =	vld.idx.msk [tilespmem:v58+s2+$0x0], $0xffff  }
0x4c: {  	v0 =	vadd.f32 v59, v0  }
0x4d: {  	v63 =	vld.idx.msk [tilespmem:v60+s2+$0x0], $0xffff  }
0x4e: {  	v0 =	vadd.f32 v61, v0;
	_ =	sdelay $0x1  }
0x4f: {  	v0 =	vadd.f32 v62, v0;
	_ =	sdelay $0x1  }
0x50: {  	s30 =	simm.s32 $0x10;
	s16 =	simm.s32 $0x80;
	v0 =	vadd.f32 v63, v0  }
0x51: {  	s31 =	sand.u32 $0xC00, s16;
	s14 =	sand.u32 $0x70, s30  }
0x52: {  	s17 =	simm.s32 $0x20;
	s15 =	sor.u32 s14, s31;
	s14 =	simm.s32 $0xA600;
	[tilespmem:s12+$0x0] =	vst v0  }
.LBB2_2:
0x53: {  	p0 =	sne.s32 s17, $0x1F0;
	v0 =	vld [tilespmem:s15+$0x6600]  }
0x54: {  	v1 =	vld [tilespmem:s15+$0x6680];
	_ =	sdelay $0x1  }
0x55: {  	v2 =	vld [tilespmem:s15+$0x6700];
	_ =	sdelay $0x1  }
0x56: {  	v3 =	vld [tilespmem:s15+$0x6780]  }
0x57: {  	v1 =	vadd.s32 $0x3E8, v1  }
0x58: {  	v4 =	vld [tilespmem:s15+$0x6800]  }
0x59: {  	v2 =	vadd.s32 $0x7D0, v2;
	v5 =	vld [tilespmem:s15+$0x6880]  }
0x5a: {  	v0 =	vld.idx.msk [tilespmem:v0+s2+$0x0], $0xffff  }
0x5b: {  	v3 =	vadd.s32 $0xBB8, v3;
	v6 =	vld [tilespmem:s15+$0x6900]  }
0x5c: {  	v1 =	vld.idx.msk [tilespmem:v1+s2+$0x0], $0xffff  }
0x5d: {  	v4 =	vadd.s32 $0xFA0, v4;
	v7 =	vld [tilespmem:s15+$0x6980]  }
0x5e: {  	v2 =	vld.idx.msk [tilespmem:v2+s2+$0x0], $0xffff  }
0x5f: {  	v5 =	vadd.s32 $0x1388, v5;
	v8 =	vld [tilespmem:s15+$0x7600]  }
0x60: {  	v0 =	vadd.f32 $0.0e+00, v0;
	v3 =	vld.idx.msk [tilespmem:v3+s2+$0x0], $0xffff  }
0x61: {  	v6 =	vadd.s32 $0x1770, v6;
	v9 =	vld [tilespmem:s15+$0x7680]  }
0x62: {  	v0 =	vadd.f32 v1, v0;
	v1 =	vld.idx.msk [tilespmem:v4+s2+$0x0], $0xffff  }
0x63: {  	v4 =	vadd.s32 $0x1B58, v7;
	v7 =	vld [tilespmem:s15+$0x7700]  }
0x64: {  	v0 =	vadd.f32 v2, v0;
	v2 =	vld.idx.msk [tilespmem:v5+s2+$0x0], $0xffff  }
0x65: {  	v5 =	vadd.s32 $0x1F40, v8;
	v8 =	vld [tilespmem:s15+$0x7780]  }
0x66: {  	v0 =	vadd.f32 v3, v0;
	v3 =	vld.idx.msk [tilespmem:v6+s2+$0x0], $0xffff  }
0x67: {  	v6 =	vadd.s32 $0x2328, v9;
	v9 =	vld [tilespmem:s15+$0x7800]  }
0x68: {  	v0 =	vadd.f32 v1, v0;
	v1 =	vld.idx.msk [tilespmem:v4+s2+$0x0], $0xffff  }
0x69: {  	v4 =	vadd.s32 $0x2710, v7;
	v7 =	vld [tilespmem:s15+$0x7880]  }
0x6a: {  	v0 =	vadd.f32 v2, v0;
	v2 =	vld.idx.msk [tilespmem:v5+s2+$0x0], $0xffff  }
0x6b: {  	v5 =	vadd.s32 $0x2AF8, v8;
	v8 =	vld [tilespmem:s15+$0x7900]  }
0x6c: {  	v0 =	vadd.f32 v3, v0;
	v3 =	vld.idx.msk [tilespmem:v6+s2+$0x0], $0xffff  }
0x6d: {  	v6 =	vadd.s32 $0x2EE0, v9;
	v9 =	vld [tilespmem:s15+$0x7980]  }
0x6e: {  	v0 =	vadd.f32 v1, v0;
	v1 =	vld.idx.msk [tilespmem:v4+s2+$0x0], $0xffff  }
0x6f: {  	v4 =	vadd.s32 $0x32C8, v7;
	v7 =	vld [tilespmem:s15+$0x8600]  }
0x70: {  	v0 =	vadd.f32 v2, v0;
	v2 =	vld.idx.msk [tilespmem:v5+s2+$0x0], $0xffff  }
0x71: {  	v5 =	vadd.s32 $0x36B0, v8;
	v8 =	vld [tilespmem:s15+$0x8680]  }
0x72: {  	v0 =	vadd.f32 v3, v0;
	v3 =	vld.idx.msk [tilespmem:v6+s2+$0x0], $0xffff  }
0x73: {  	v6 =	vadd.s32 $0x3A98, v9;
	v9 =	vld [tilespmem:s15+$0x8700]  }
0x74: {  	v0 =	vadd.f32 v1, v0;
	v1 =	vld.idx.msk [tilespmem:v4+s2+$0x0], $0xffff  }
0x75: {  	v4 =	vadd.s32 $0x3E80, v7;
	v7 =	vld [tilespmem:s15+$0x8780]  }
0x76: {  	v0 =	vadd.f32 v2, v0;
	v2 =	vld.idx.msk [tilespmem:v5+s2+$0x0], $0xffff  }
0x77: {  	v5 =	vadd.s32 $0x4268, v8;
	v8 =	vld [tilespmem:s15+$0x8800]  }
0x78: {  	v0 =	vadd.f32 v3, v0;
	v3 =	vld.idx.msk [tilespmem:v6+s2+$0x0], $0xffff  }
0x79: {  	v6 =	vadd.s32 $0x4650, v9;
	v9 =	vld [tilespmem:s15+$0x8880]  }
0x7a: {  	v0 =	vadd.f32 v1, v0;
	v1 =	vld.idx.msk [tilespmem:v4+s2+$0x0], $0xffff  }
0x7b: {  	v4 =	vadd.s32 $0x4A38, v7;
	v7 =	vld [tilespmem:s15+$0x8900]  }
0x7c: {  	v0 =	vadd.f32 v2, v0;
	v2 =	vld.idx.msk [tilespmem:v5+s2+$0x0], $0xffff  }
0x7d: {  	v5 =	vadd.s32 $0x4E20, v8;
	v8 =	vld [tilespmem:s15+$0x8980]  }
0x7e: {  	v0 =	vadd.f32 v3, v0;
	v3 =	vld.idx.msk [tilespmem:v6+s2+$0x0], $0xffff  }
0x7f: {  	v6 =	vadd.s32 $0x5208, v9;
	v9 =	vld [tilespmem:s15+$0x9600]  }
0x80: {  	v0 =	vadd.f32 v1, v0;
	v1 =	vld.idx.msk [tilespmem:v4+s2+$0x0], $0xffff  }
0x81: {  	v4 =	vadd.s32 $0x55F0, v7;
	v7 =	vld [tilespmem:s15+$0x9680]  }
0x82: {  	v0 =	vadd.f32 v2, v0;
	v2 =	vld.idx.msk [tilespmem:v5+s2+$0x0], $0xffff  }
0x83: {  	v5 =	vadd.s32 $0x59D8, v8  }
0x84: {  	v0 =	vadd.f32 v3, v0;
	v3 =	vld.idx.msk [tilespmem:v6+s2+$0x0], $0xffff  }
0x85: {  	v6 =	vadd.s32 $0x5DC0, v9  }
0x86: {  	v0 =	vadd.f32 v1, v0;
	v1 =	vld.idx.msk [tilespmem:v4+s2+$0x0], $0xffff  }
0x87: {  	v4 =	vadd.s32 $0x61A8, v7  }
0x88: {  	v0 =	vadd.f32 v2, v0;
	v2 =	vld.idx.msk [tilespmem:v5+s2+$0x0], $0xffff;
	_ =	sdelay $0x1  }
0x89: {  	v0 =	vadd.f32 v3, v0;
	v3 =	vld.idx.msk [tilespmem:v6+s2+$0x0], $0xffff;
	_ =	sdelay $0x1  }
0x8a: {  	v0 =	vadd.f32 v1, v0;
	v1 =	vld.idx.msk [tilespmem:v4+s2+$0x0], $0xffff;
	_ =	sdelay $0x1  }
0x8b: {  	v0 =	vadd.f32 v2, v0;
	_ =	sdelay $0x1  }
.Ltmp0:
0x8c: {  	v0 =	vadd.f32 v3, v0;
	(pc) =	sbr.rel @p0 .LBB2_2-.Ltmp0, $4  }
0x8d: {  	_ = 	snop  }
0x8e: {  	s16 =	sadd.s32 $0x80, s16;
	v0 =	vadd.f32 v1, v0  }
0x8f: {  	s14 =	sadd.s32 $0x10, s14;
	s18 =	sand.u32 $0xC00, s16;
	s15 =	sand.u32 $0x70, s17  }
0x90: {  	s17 =	sadd.s32 $0x10, s17;
	s15 =	sor.u32 s15, s18;
	[tilespmem:s14+$0x0] =	vst v0  }
0x91: {  	v0 =	vld [tilespmem:s15+$0x6600]  }
0x92: {  	v1 =	vld [tilespmem:s15+$0x6680];
	_ =	sdelay $0x1  }
0x93: {  	v2 =	vld [tilespmem:s15+$0x6700];
	_ =	sdelay $0x1  }
0x94: {  	v3 =	vld [tilespmem:s15+$0x6780]  }
0x95: {  	v1 =	vadd.s32 $0x3E8, v1  }
0x96: {  	v4 =	vld [tilespmem:s15+$0x6800]  }
0x97: {  	v5 =	vld [tilespmem:s15+$0x6880];
	v2 =	vadd.s32 $0x7D0, v2  }
0x98: {  	v0 =	vld.idx.msk [tilespmem:v0+s2+$0x0], $0xffff  }
0x99: {  	v6 =	vld [tilespmem:s15+$0x6900];
	v3 =	vadd.s32 $0xBB8, v3  }
0x9a: {  	v1 =	vld.idx.msk [tilespmem:v1+s2+$0x0], $0xffff  }
0x9b: {  	v7 =	vld [tilespmem:s15+$0x6980];
	v4 =	vadd.s32 $0xFA0, v4  }
0x9c: {  	v2 =	vld.idx.msk [tilespmem:v2+s2+$0x0], $0xffff  }
0x9d: {  	v8 =	vld [tilespmem:s15+$0x7600];
	v5 =	vadd.s32 $0x1388, v5;
	v0 =	vadd.f32 $0.0e+00, v0  }
0x9e: {  	v3 =	vld.idx.msk [tilespmem:v3+s2+$0x0], $0xffff  }
0x9f: {  	v9 =	vld [tilespmem:s15+$0x7680];
	v6 =	vadd.s32 $0x1770, v6;
	v0 =	vadd.f32 v1, v0  }
0xa0: {  	v59 =	vld.idx.msk [tilespmem:v4+s2+$0x0], $0xffff  }
0xa1: {  	v61 =	vld [tilespmem:s15+$0x7700];
	v60 =	vadd.s32 $0x1B58, v7;
	v0 =	vadd.f32 v2, v0  }
0xa2: {  	v62 =	vld.idx.msk [tilespmem:v5+s2+$0x0], $0xffff  }
0xa3: {  	v12 =	vld [tilespmem:s15+$0x7780];
	v63 =	vadd.s32 $0x1F40, v8;
	v0 =	vadd.f32 v3, v0  }
0xa4: {  	v13 =	vld.idx.msk [tilespmem:v6+s2+$0x0], $0xffff  }
0xa5: {  	v15 =	vld [tilespmem:s15+$0x7800];
	v14 =	vadd.s32 $0x2328, v9;
	v0 =	vadd.f32 v59, v0  }
0xa6: {  	v16 =	vld.idx.msk [tilespmem:v60+s2+$0x0], $0xffff  }
0xa7: {  	v18 =	vld [tilespmem:s15+$0x7880];
	v17 =	vadd.s32 $0x2710, v61;
	v0 =	vadd.f32 v62, v0  }
0xa8: {  	v19 =	vld.idx.msk [tilespmem:v63+s2+$0x0], $0xffff  }
0xa9: {  	v21 =	vld [tilespmem:s15+$0x7900];
	v20 =	vadd.s32 $0x2AF8, v12;
	v0 =	vadd.f32 v13, v0  }
0xaa: {  	v22 =	vld.idx.msk [tilespmem:v14+s2+$0x0], $0xffff  }
0xab: {  	v24 =	vld [tilespmem:s15+$0x7980];
	v23 =	vadd.s32 $0x2EE0, v15;
	v0 =	vadd.f32 v16, v0  }
0xac: {  	v25 =	vld.idx.msk [tilespmem:v17+s2+$0x0], $0xffff  }
0xad: {  	v27 =	vld [tilespmem:s15+$0x8600];
	v26 =	vadd.s32 $0x32C8, v18;
	v0 =	vadd.f32 v19, v0  }
0xae: {  	v28 =	vld.idx.msk [tilespmem:v20+s2+$0x0], $0xffff  }
0xaf: {  	v30 =	vld [tilespmem:s15+$0x8680];
	v29 =	vadd.s32 $0x36B0, v21;
	v0 =	vadd.f32 v22, v0  }
0xb0: {  	v31 =	vld.idx.msk [tilespmem:v23+s2+$0x0], $0xffff  }
0xb1: {  	v33 =	vld [tilespmem:s15+$0x8700];
	v32 =	vadd.s32 $0x3A98, v24;
	v0 =	vadd.f32 v25, v0  }
0xb2: {  	v34 =	vld.idx.msk [tilespmem:v26+s2+$0x0], $0xffff  }
0xb3: {  	v36 =	vld [tilespmem:s15+$0x8780];
	v35 =	vadd.s32 $0x3E80, v27;
	v0 =	vadd.f32 v28, v0  }
0xb4: {  	v37 =	vld.idx.msk [tilespmem:v29+s2+$0x0], $0xffff  }
0xb5: {  	v39 =	vld [tilespmem:s15+$0x8800];
	v38 =	vadd.s32 $0x4268, v30;
	v0 =	vadd.f32 v31, v0  }
0xb6: {  	v40 =	vld.idx.msk [tilespmem:v32+s2+$0x0], $0xffff  }
0xb7: {  	v42 =	vld [tilespmem:s15+$0x8880];
	v41 =	vadd.s32 $0x4650, v33;
	v0 =	vadd.f32 v34, v0  }
0xb8: {  	v43 =	vld.idx.msk [tilespmem:v35+s2+$0x0], $0xffff  }
0xb9: {  	v45 =	vld [tilespmem:s15+$0x8900];
	v44 =	vadd.s32 $0x4A38, v36;
	v0 =	vadd.f32 v37, v0  }
0xba: {  	v46 =	vld.idx.msk [tilespmem:v38+s2+$0x0], $0xffff  }
0xbb: {  	v48 =	vld [tilespmem:s15+$0x8980];
	v47 =	vadd.s32 $0x4E20, v39;
	v0 =	vadd.f32 v40, v0  }
0xbc: {  	v49 =	vld.idx.msk [tilespmem:v41+s2+$0x0], $0xffff  }
0xbd: {  	v51 =	vld [tilespmem:s15+$0x9600];
	v50 =	vadd.s32 $0x5208, v42;
	v0 =	vadd.f32 v43, v0  }
0xbe: {  	v52 =	vld.idx.msk [tilespmem:v44+s2+$0x0], $0xffff  }
0xbf: {  	v54 =	vld [tilespmem:s15+$0x9680];
	v53 =	vadd.s32 $0x55F0, v45;
	v0 =	vadd.f32 v46, v0  }
0xc0: {  	v55 =	vld.idx.msk [tilespmem:v47+s2+$0x0], $0xffff  }
0xc1: {  	v56 =	vadd.s32 $0x59D8, v48;
	v0 =	vadd.f32 v49, v0  }
0xc2: {  	v57 =	vld.idx.msk [tilespmem:v50+s2+$0x0], $0xffff  }
0xc3: {  	v58 =	vadd.s32 $0x5DC0, v51;
	v0 =	vadd.f32 v52, v0  }
0xc4: {  	v59 =	vld.idx.msk [tilespmem:v53+s2+$0x0], $0xffff  }
0xc5: {  	v60 =	vadd.s32 $0x61A8, v54;
	v0 =	vadd.f32 v55, v0  }
0xc6: {  	v61 =	vld.idx.msk [tilespmem:v56+s2+$0x0], $0xffff  }
0xc7: {  	v0 =	vadd.f32 v57, v0  }
0xc8: {  	v62 =	vld.idx.msk [tilespmem:v58+s2+$0x0], $0xffff  }
0xc9: {  	v0 =	vadd.f32 v59, v0  }
0xca: {  	v63 =	vld.idx.msk [tilespmem:v60+s2+$0x0], $0xffff  }
0xcb: {  	v0 =	vadd.f32 v61, v0;
	_ =	sdelay $0x1  }
0xcc: {  	v0 =	vadd.f32 v62, v0;
	_ =	sdelay $0x1  }
0xcd: {  	s13 =	sadd.s32 $0x1, s13;
	v0 =	vadd.f32 v63, v0  }
0xce: {  	s14 =	sadd.s32 $0x10, s14;
	p0 =	sne.s32 s13, s6  }
.Ltmp1:
0xcf: {  	[tilespmem:s14+$0x0] =	vst v0;
	(pc) =	sbr.rel @p0 .LBB2_1-.Ltmp1, $4  }
0xd0: {  	[hbm4b:s5+s2] =	stream.linear.scatter [tilespmem:s12], [sflag:$0x2], $0x200, $0x38;
	[tilespmem:$0xA800] =	vst v63  }
0xd1: {  	_ =	swait.ge [sflag:s10], $0x200  }
0xd2: {  	[sflag:s10] =	ssyncset.done $0x0  }
0xd3: {  	[sflag:s10] =	ssyncadd.s32 $0xFFFFFE00  }
0xd4: {  	_ =	sfence.sel $0x180000  }
0xd5: {  	[bflag:$0x0] =	sbarrier.arrive $0xFFFF  }
0xd6: {  	p0 =	sne.s32 s1, $0x0;
	_ =	strace $0x90000047  }
0xd7: {  	s0 =	sadd.s32 @!p0 $0x100000, s0;
	[bflag:$0x2] =	sbarrier.arrive $0xFFFF  }
0xd8: {  	[sflag:s0] =	ssyncadd.tile.s32 @!p0 $0x1;
	_ =	shalt  }
.Lfunc_end2:
_tile_overlayer_lowered:
.L_overlay_start_2:
0xd9: {  	(tag) =	ssettag $0x2  }
0xda: {  	s0 =	rddreg [dreg:$0x0];
	s2 =	stileid.u32  }
0xdb: {  	s1 =	rddreg [dreg:$0x1];
	p0 =	sne.s32 s2, $0x0  }
0xdc: {  	s3 =	rddreg [dreg:$0x2];
	[bflag:$0x3] =	sbarrier.arrive $0xFFFF;
	s2 =	simm.s32 @!p0 $0x1C02  }
0xdd: {  	[timem:s3], [sflag:s2] =	dma.local @!p0 [hbm:s0], s1  }
0xde: {  	s0 =	simm.s32 @!p0 $0x2  }
0xdf: {  	_ =	swait.ge @!p0 [sflag:s0], s1  }
0xe0: {  	s1 =	ssub.s32 @!p0 $0x0, s1;
	[sflag:s0] =	ssyncset.done @!p0 $0x0  }
0xe1: {  	[sflag:s0] =	ssyncadd.s32 @!p0 s1  }
0xe2: {  	[bflag:$0x3] =	sbarrier.arrive $0xFFFF  }
0xe3: {  	_ =	shalt  }

</sc_bundles>
